<compile_context>
chip_gen: v7x
topology: tpu7x:2x2x1
jax: 0.10.2.dev20260603
libtpu: 0.0.44.dev20260713+nightly
codegen_flags: <defaults>
</compile_context>

<pallas_src>
import functools

import jax
import jax.numpy as jnp
from jax import lax
from jax.experimental import pallas as pl
from jax.experimental.pallas import tpu as pltpu
from jax.experimental.pallas import tpu_sc as plsc

EMB = 128
NC, NS = 2, 16
NW = NC * NS
IDX_CHUNK = 128


def _gather_embeddings(user_emb, item_emb, uid2, iid2):
    B = uid2.shape[0] * uid2.shape[1]
    b_per_w = B // NW
    n_chunks = b_per_w // IDX_CHUNK

    mesh = plsc.VectorSubcoreMesh(core_axis_name="c", subcore_axis_name="s")

    n_total = 2 * n_chunks
    NBUF = min(4, 2 * n_chunks)

    @functools.partial(
        pl.kernel,
        mesh=mesh,
        out_type=[
            jax.ShapeDtypeStruct((B, EMB), jnp.float32),
            jax.ShapeDtypeStruct((B, EMB), jnp.float32),
        ],
        scratch_types=[
            pltpu.VMEM((n_total, IDX_CHUNK), jnp.int32),
            pltpu.VMEM((NBUF * IDX_CHUNK, EMB), jnp.float32),
            pltpu.SemaphoreType.DMA,
            pltpu.SemaphoreType.DMA,
        ],
    )
    def gather(ut_hbm, it_hbm, uid_hbm, iid_hbm, ue_hbm, ie_hbm,
               idx_v, bufs, sem_g, sem_w):
        wid = lax.axis_index("s") * NC + lax.axis_index("c")
        base = wid * b_per_w
        pltpu.sync_copy(uid_hbm.at[pl.ds(wid * n_chunks, n_chunks)],
                        idx_v.at[pl.ds(0, n_chunks)])
        pltpu.sync_copy(iid_hbm.at[pl.ds(wid * n_chunks, n_chunks)],
                        idx_v.at[pl.ds(n_chunks, n_chunks)])

        def fire_g(c):
            tab = ut_hbm if c < n_chunks else it_hbm
            return pltpu.async_copy(
                tab.at[idx_v.at[c]],
                bufs.at[pl.ds((c % NBUF) * IDX_CHUNK, IDX_CHUNK)], sem_g)

        def fire_w(c):
            out = ue_hbm if c < n_chunks else ie_hbm
            off = base + (c % n_chunks) * IDX_CHUNK
            return pltpu.async_copy(
                bufs.at[pl.ds((c % NBUF) * IDX_CHUNK, IDX_CHUNK)],
                out.at[pl.ds(off, IDX_CHUNK)], sem_w)

        gd = [None] * n_total
        wd = [None] * n_total
        for c in range(NBUF):
            gd[c] = fire_g(c)
        for c in range(n_total):
            gd[c].wait()
            wd[c] = fire_w(c)
            if c + NBUF < n_total:
                wd[c].wait()
                gd[c + NBUF] = fire_g(c + NBUF)
        for c in range(n_total - NBUF, n_total):
            wd[c].wait()

    return gather(user_emb, item_emb, uid2, iid2)


def _ln_mxu(h, g, b, eps=1e-5):
    n = h.shape[-1]
    avg = jnp.full((n, n), 1.0 / n, jnp.float32)
    mu = jnp.dot(h, avg, preferred_element_type=jnp.float32)
    d = h - mu
    var = jnp.dot(d * d, avg, preferred_element_type=jnp.float32)
    return d * jax.lax.rsqrt(var + eps) * g + b


def _dot_t(a, w):
    return lax.dot_general(a, w, (((1,), (1,)), ((), ())),
                           preferred_element_type=jnp.float32)


def _mlp_body(ue_ref, ie_ref, w1_ref, b1_ref, g1_ref, be1_ref,
              w2_ref, b2_ref, g2_ref, be2_ref, w3_ref, b3_ref,
              w4_ref, b4_ref, w5_ref, b5_ref, bias_ref, out_ref):
    ue = ue_ref[...].astype(jnp.bfloat16)
    ie = ie_ref[...].astype(jnp.bfloat16)
    w1u = w1_ref[:, :EMB].astype(jnp.bfloat16)
    w1i = w1_ref[:, EMB:].astype(jnp.bfloat16)
    ones_col = jnp.full((EMB, 1), 1.0, jnp.bfloat16)
    fm = jnp.dot(ue * ie, ones_col, preferred_element_type=jnp.float32)
    h = lax.dot_general(ue, w1u, (((1,), (1,)), ((), ())),
                        preferred_element_type=jnp.float32)
    h = h + lax.dot_general(ie, w1i, (((1,), (1,)), ((), ())),
                            preferred_element_type=jnp.float32)
    h = jnp.maximum(h + b1_ref[...], 0.0)
    h = _ln_mxu(h, g1_ref[...], be1_ref[...])
    h = jnp.maximum(_dot_t(h, w2_ref[...]) + b2_ref[...], 0.0)
    h = _ln_mxu(h, g2_ref[...], be2_ref[...])
    h = jnp.maximum(_dot_t(h, w3_ref[...]) + b3_ref[...], 0.0)
    h = jnp.maximum(_dot_t(h, w4_ref[...]) + b4_ref[...], 0.0)
    dnn = jnp.dot(h, w5_ref[...], preferred_element_type=jnp.float32) + b5_ref[...]
    t = fm + dnn + bias_ref[...]
    t = t.reshape(t.shape[0] // 128, 128)
    out_ref[...] = jax.nn.sigmoid(t)


def _mlp(ue, ie, *params, block_b=4096):
    B = ue.shape[0]
    grid = (B // block_b,)

    def _full(p):
        return pl.BlockSpec(p.shape, lambda i: (0,) * p.ndim)

    in_specs = [
        pl.BlockSpec((block_b, EMB), lambda i: (i, 0)),
        pl.BlockSpec((block_b, EMB), lambda i: (i, 0)),
    ] + [_full(p) for p in params]

    return pl.pallas_call(
        _mlp_body,
        grid=grid,
        in_specs=in_specs,
        out_specs=pl.BlockSpec((block_b // 128, 128), lambda i: (i, 0)),
        out_shape=jax.ShapeDtypeStruct((B // 128, 128), jnp.float32),
        compiler_params=pltpu.CompilerParams(
            dimension_semantics=("parallel",),
        ),
    )(ue, ie, *params)


def kernel(x, user_emb, item_emb, bias, W1, b1, g1, be1, W2, b2, g2, be2,
           W3, b3, W4, b4, W5, b5):
    params = (W1, b1.reshape(1, -1), g1.reshape(1, -1), be1.reshape(1, -1),
              W2, b2.reshape(1, -1), g2.reshape(1, -1), be2.reshape(1, -1),
              W3, b3.reshape(1, -1), W4, b4.reshape(1, -1),
              W5.reshape(-1, 1), b5.reshape(1, 1), bias.reshape(1, 1))
    uid2 = x[:, 0].astype(jnp.int32).reshape(-1, IDX_CHUNK)
    iid2 = x[:, 1].astype(jnp.int32).reshape(-1, IDX_CHUNK)
    CH = 2
    qh = uid2.shape[0] // CH
    gathered = [
        _gather_embeddings(user_emb, item_emb,
                           uid2[c * qh:(c + 1) * qh], iid2[c * qh:(c + 1) * qh])
        for c in range(CH)
    ]
    outs = [_mlp(ue, ie, *params) for ue, ie in gathered]
    return jnp.concatenate(outs, axis=0).reshape(-1)

# --- scband reference (transcript-rebuilt; emitter-appended) ---
"""Pipeline reference for scband-deep-fm-64622077936282 (READ-ONLY COPY).

The authoritative reference and input builder live on the scoring server;
editing this copy changes nothing except your own understanding.
"""

import jax, jax.numpy as jnp
import numpy as np

NUM_USERS = 100000
NUM_ITEMS = 100000
EMB = 128
BATCH = 16384


def setup_inputs(seed: int = 0) -> dict:
    key = jax.random.key(seed)
    ks = jax.random.split(key, 20)
    x = jax.random.randint(ks[0], (BATCH, 2), 0, NUM_USERS, dtype=jnp.int64) if jax.config.jax_enable_x64 else jax.random.randint(ks[0], (BATCH, 2), 0, NUM_USERS).astype(jnp.int32)
    def xavier(k, shape):
        fan_in, fan_out = shape[1], shape[0]
        lim = np.sqrt(6.0 / (fan_in + fan_out))
        return jax.random.uniform(k, shape, jnp.float32, -lim, lim)
    user_emb = xavier(ks[1], (NUM_USERS, EMB))
    item_emb = xavier(ks[2], (NUM_ITEMS, EMB))
    bias = jax.random.normal(ks[3], (1,), jnp.float32)
    W1 = xavier(ks[4], (64, 2 * EMB)); b1 = jnp.full((64,), 0.01, jnp.float32)
    g1 = jnp.ones((64,), jnp.float32); be1 = jnp.zeros((64,), jnp.float32)
    W2 = xavier(ks[5], (32, 64)); b2 = jnp.full((32,), 0.01, jnp.float32)
    g2 = jnp.ones((32,), jnp.float32); be2 = jnp.zeros((32,), jnp.float32)
    W3 = xavier(ks[6], (16, 32)); b3 = jnp.full((16,), 0.01, jnp.float32)
    W4 = xavier(ks[7], (8, 16)); b4 = jnp.full((8,), 0.01, jnp.float32)
    W5 = xavier(ks[8], (1, 8)); b5 = jnp.full((1,), 0.01, jnp.float32)
    return {"x": x, "user_emb": user_emb, "item_emb": item_emb, "bias": bias,
            "W1": W1, "b1": b1, "g1": g1, "be1": be1,
            "W2": W2, "b2": b2, "g2": g2, "be2": be2,
            "W3": W3, "b3": b3, "W4": W4, "b4": b4, "W5": W5, "b5": b5}


def _layernorm(h, g, b, eps=1e-5):
    mu = jnp.mean(h, axis=-1, keepdims=True)
    var = jnp.mean((h - mu) ** 2, axis=-1, keepdims=True)
    return (h - mu) / jnp.sqrt(var + eps) * g + b


def reference(x, user_emb, item_emb, bias, W1, b1, g1, be1, W2, b2, g2, be2, W3, b3, W4, b4, W5, b5):
    user_ids = x[:, 0]
    item_ids = x[:, 1]
    ue = jnp.take(user_emb, user_ids, axis=0)
    ie = jnp.take(item_emb, item_ids, axis=0)
    fm_part = jnp.sum(ue * ie, axis=1, keepdims=True)
    h = jnp.concatenate([ue, ie], axis=1)
    h = jax.nn.relu(h @ W1.T + b1)
    h = _layernorm(h, g1, be1)
    h = jax.nn.relu(h @ W2.T + b2)
    h = _layernorm(h, g2, be2)
    h = jax.nn.relu(h @ W3.T + b3)
    h = jax.nn.relu(h @ W4.T + b4)
    dnn_out = h @ W5.T + b5
    out = jax.nn.sigmoid(fm_part + dnn_out + bias)
    return out.reshape(-1)

if __name__ == "__main__":
    import jax
    _d = setup_inputs()
    print(jax.jit(kernel)(*tuple(_d.values())))

</pallas_src>

<mosaic_0001>
#map = affine_map<(d0, d1) -> (0, 0)>
module attributes {stable_mosaic.version = 14 : i64} {
  func.func @gather(%arg0: i32, %arg1: i32, %arg2: memref<100000x128xf32, #tpu.memory_space<hbm>>, %arg3: memref<100000x128xf32, #tpu.memory_space<hbm>>, %arg4: memref<64x128xi32, #tpu.memory_space<hbm>>, %arg5: memref<64x128xi32, #tpu.memory_space<hbm>>, %arg6: memref<8192x128xf32, #tpu.memory_space<hbm>>, %arg7: memref<8192x128xf32, #tpu.memory_space<hbm>>, %arg8: memref<4x128xi32, #tpu.memory_space<vmem>>, %arg9: memref<512x128xf32, #tpu.memory_space<vmem>>, %arg10: memref<!tpu.dma_semaphore, #tpu.memory_space<semaphore_mem>>, %arg11: memref<!tpu.dma_semaphore, #tpu.memory_space<semaphore_mem>>) attributes {dimension_semantics = [#tpu.dimension_semantics<core_parallel>, #tpu.dimension_semantics<subcore_parallel>], iteration_bounds = array<i64: 2, 16>, scalar_prefetch = 0 : i64, scratch_operands = 4 : i64, tpu.core_type = #tpu.core_type<sc_vector_subcore>, window_params = [{transform_indices = #map}, {transform_indices = #map}, {transform_indices = #map}, {transform_indices = #map}, {transform_indices = #map}, {transform_indices = #map}]} {
    %mul3A = arith.constant 2 : i32
    %mul3A_0 = arith.muli %arg1, %mul3A : i32
    %add3A = arith.addi %mul3A_0, %arg0 : i32
    %mul3A_1 = arith.constant 256 : i32
    %mul3A_2 = arith.muli %add3A, %mul3A_1 : i32
    %mul3A_3 = arith.constant 2 : i32
    %mul3A_4 = arith.muli %add3A, %mul3A_3 : i32
    "tpu.region"() ({
      %run_scoped3A = tpu.sem_alloc : memref<!tpu.dma_semaphore, #tpu.memory_space<semaphore_mem>>
      %dma_start3A_173 = arith.constant 0 : i32
      %dma_start3A_174 = arith.constant 0 : i32
      %dma_start3A_175 = tpu.memref_slice %arg8[%dma_start3A_173, %dma_start3A_174] : memref<4x128xi32, #tpu.memory_space<vmem>> -> memref<2x128xi32, #tpu.memory_space<vmem>>
      %dma_start3A_176 = arith.constant 0 : i32
      %dma_start3A_177 = tpu.memref_slice %arg4[%mul3A_4, %dma_start3A_176] : memref<64x128xi32, #tpu.memory_space<hbm>> -> memref<2x128xi32, #tpu.memory_space<hbm>>
      %dma_start3A_178 = arith.constant 0 : i32
      %dma_start3A_179 = arith.constant 0 : i32
      %dma_start3A_180 = tpu.memref_slice %arg8[%dma_start3A_178, %dma_start3A_179] : memref<4x128xi32, #tpu.memory_space<vmem>> -> memref<2x128xi32, #tpu.memory_space<vmem>>
      %dma_start3A_181 = arith.constant 0 : i32
      %dma_start3A_182 = tpu.memref_slice %arg4[%mul3A_4, %dma_start3A_181] : memref<64x128xi32, #tpu.memory_space<hbm>> -> memref<2x128xi32, #tpu.memory_space<hbm>>
      tpu.enqueue_dma source(%dma_start3A_182 : memref<2x128xi32, #tpu.memory_space<hbm>>) target(%dma_start3A_180 : memref<2x128xi32, #tpu.memory_space<vmem>>) target_semaphore(%run_scoped3A : memref<!tpu.dma_semaphore, #tpu.memory_space<semaphore_mem>>)
      %dma_wait3A_183 = arith.constant 0 : i32
      %dma_wait3A_184 = arith.constant 0 : i32
      %dma_wait3A_185 = tpu.memref_slice %arg8[%dma_wait3A_183, %dma_wait3A_184] : memref<4x128xi32, #tpu.memory_space<vmem>> -> memref<2x128xi32, #tpu.memory_space<vmem>>
      %dma_wait3A_186 = arith.constant 0 : i32
      %dma_wait3A_187 = tpu.memref_slice %arg4[%mul3A_4, %dma_wait3A_186] : memref<64x128xi32, #tpu.memory_space<hbm>> -> memref<2x128xi32, #tpu.memory_space<hbm>>
      %dma_wait3A_188 = arith.constant 0 : i32
      %dma_wait3A_189 = arith.constant 0 : i32
      %dma_wait3A_190 = tpu.memref_slice %arg8[%dma_wait3A_188, %dma_wait3A_189] : memref<4x128xi32, #tpu.memory_space<vmem>> -> memref<2x128xi32, #tpu.memory_space<vmem>>
      %dma_wait3A_191 = arith.constant 0 : i32
      %dma_wait3A_192 = tpu.memref_slice %arg4[%mul3A_4, %dma_wait3A_191] : memref<64x128xi32, #tpu.memory_space<hbm>> -> memref<2x128xi32, #tpu.memory_space<hbm>>
      tpu.wait_dma2 semaphore(%run_scoped3A : memref<!tpu.dma_semaphore, #tpu.memory_space<semaphore_mem>>) src(%dma_wait3A_192 : memref<2x128xi32, #tpu.memory_space<hbm>>) dst(%dma_wait3A_190 : memref<2x128xi32, #tpu.memory_space<vmem>>)
      tpu.yield
    }) : () -> ()
    %mul3A_5 = arith.constant 2 : i32
    %mul3A_6 = arith.muli %add3A, %mul3A_5 : i32
    "tpu.region"() ({
      %run_scoped3A = tpu.sem_alloc : memref<!tpu.dma_semaphore, #tpu.memory_space<semaphore_mem>>
      %dma_start3A_173 = arith.constant 2 : i32
      %dma_start3A_174 = arith.constant 0 : i32
      %dma_start3A_175 = tpu.memref_slice %arg8[%dma_start3A_173, %dma_start3A_174] : memref<4x128xi32, #tpu.memory_space<vmem>> -> memref<2x128xi32, #tpu.memory_space<vmem>>
      %dma_start3A_176 = arith.constant 0 : i32
      %dma_start3A_177 = tpu.memref_slice %arg5[%mul3A_6, %dma_start3A_176] : memref<64x128xi32, #tpu.memory_space<hbm>> -> memref<2x128xi32, #tpu.memory_space<hbm>>
      %dma_start3A_178 = arith.constant 2 : i32
      %dma_start3A_179 = arith.constant 0 : i32
      %dma_start3A_180 = tpu.memref_slice %arg8[%dma_start3A_178, %dma_start3A_179] : memref<4x128xi32, #tpu.memory_space<vmem>> -> memref<2x128xi32, #tpu.memory_space<vmem>>
      %dma_start3A_181 = arith.constant 0 : i32
      %dma_start3A_182 = tpu.memref_slice %arg5[%mul3A_6, %dma_start3A_181] : memref<64x128xi32, #tpu.memory_space<hbm>> -> memref<2x128xi32, #tpu.memory_space<hbm>>
      tpu.enqueue_dma source(%dma_start3A_182 : memref<2x128xi32, #tpu.memory_space<hbm>>) target(%dma_start3A_180 : memref<2x128xi32, #tpu.memory_space<vmem>>) target_semaphore(%run_scoped3A : memref<!tpu.dma_semaphore, #tpu.memory_space<semaphore_mem>>)
      %dma_wait3A_183 = arith.constant 2 : i32
      %dma_wait3A_184 = arith.constant 0 : i32
      %dma_wait3A_185 = tpu.memref_slice %arg8[%dma_wait3A_183, %dma_wait3A_184] : memref<4x128xi32, #tpu.memory_space<vmem>> -> memref<2x128xi32, #tpu.memory_space<vmem>>
      %dma_wait3A_186 = arith.constant 0 : i32
      %dma_wait3A_187 = tpu.memref_slice %arg5[%mul3A_6, %dma_wait3A_186] : memref<64x128xi32, #tpu.memory_space<hbm>> -> memref<2x128xi32, #tpu.memory_space<hbm>>
      %dma_wait3A_188 = arith.constant 2 : i32
      %dma_wait3A_189 = arith.constant 0 : i32
      %dma_wait3A_190 = tpu.memref_slice %arg8[%dma_wait3A_188, %dma_wait3A_189] : memref<4x128xi32, #tpu.memory_space<vmem>> -> memref<2x128xi32, #tpu.memory_space<vmem>>
      %dma_wait3A_191 = arith.constant 0 : i32
      %dma_wait3A_192 = tpu.memref_slice %arg5[%mul3A_6, %dma_wait3A_191] : memref<64x128xi32, #tpu.memory_space<hbm>> -> memref<2x128xi32, #tpu.memory_space<hbm>>
      tpu.wait_dma2 semaphore(%run_scoped3A : memref<!tpu.dma_semaphore, #tpu.memory_space<semaphore_mem>>) src(%dma_wait3A_192 : memref<2x128xi32, #tpu.memory_space<hbm>>) dst(%dma_wait3A_190 : memref<2x128xi32, #tpu.memory_space<vmem>>)
      tpu.yield
    }) : () -> ()
    %dma_start3A = arith.constant 0 : i32
    %dma_start3A_7 = arith.constant 0 : i32
    %dma_start3A_8 = arith.constant 0 : i32
    %dma_start3A_9 = tpu.memref_slice %arg9[%dma_start3A_7, %dma_start3A_8] : memref<512x128xf32, #tpu.memory_space<vmem>> -> memref<128x128xf32, #tpu.memory_space<vmem>>
    %dma_start3A_10 = arith.constant 0 : i32
    %dma_start3A_11 = tpu.memref_slice %arg8[%dma_start3A, %dma_start3A_10] : memref<4x128xi32, #tpu.memory_space<vmem>> -> memref<1x128xi32, #tpu.memory_space<vmem>>
    %dma_start3A_12 = tpu.memref_squeeze %dma_start3A_11 : memref<1x128xi32, #tpu.memory_space<vmem>> -> memref<128xi32, #tpu.memory_space<vmem>>
    %dma_start3A_13 = arith.constant 0 : i32
    %dma_start3A_14 = arith.constant 0 : i32
    %dma_start3A_15 = tpu.memref_slice %arg2[%dma_start3A_13, %dma_start3A_14] : memref<100000x128xf32, #tpu.memory_space<hbm>> -> memref<100000x128xf32, #tpu.memory_space<hbm>>
    tpu.enqueue_indirect_dma source(%dma_start3A_15 : memref<100000x128xf32, #tpu.memory_space<hbm>>) target(%dma_start3A_9 : memref<128x128xf32, #tpu.memory_space<vmem>>) offsets(%dma_start3A_12 : memref<128xi32, #tpu.memory_space<vmem>>) semaphore(%arg10 : memref<!tpu.dma_semaphore, #tpu.memory_space<semaphore_mem>>)
    %dma_start3A_16 = arith.constant 1 : i32
    %dma_start3A_17 = arith.constant 128 : i32
    %dma_start3A_18 = arith.constant 0 : i32
    %dma_start3A_19 = tpu.memref_slice %arg9[%dma_start3A_17, %dma_start3A_18] : memref<512x128xf32, #tpu.memory_space<vmem>> -> memref<128x128xf32, #tpu.memory_space<vmem>>
    %dma_start3A_20 = arith.constant 0 : i32
    %dma_start3A_21 = tpu.memref_slice %arg8[%dma_start3A_16, %dma_start3A_20] : memref<4x128xi32, #tpu.memory_space<vmem>> -> memref<1x128xi32, #tpu.memory_space<vmem>>
    %dma_start3A_22 = tpu.memref_squeeze %dma_start3A_21 : memref<1x128xi32, #tpu.memory_space<vmem>> -> memref<128xi32, #tpu.memory_space<vmem>>
    %dma_start3A_23 = arith.constant 0 : i32
    %dma_start3A_24 = arith.constant 0 : i32
    %dma_start3A_25 = tpu.memref_slice %arg2[%dma_start3A_23, %dma_start3A_24] : memref<100000x128xf32, #tpu.memory_space<hbm>> -> memref<100000x128xf32, #tpu.memory_space<hbm>>
    tpu.enqueue_indirect_dma source(%dma_start3A_25 : memref<100000x128xf32, #tpu.memory_space<hbm>>) target(%dma_start3A_19 : memref<128x128xf32, #tpu.memory_space<vmem>>) offsets(%dma_start3A_22 : memref<128xi32, #tpu.memory_space<vmem>>) semaphore(%arg10 : memref<!tpu.dma_semaphore, #tpu.memory_space<semaphore_mem>>)
    %dma_start3A_26 = arith.constant 2 : i32
    %dma_start3A_27 = arith.constant 256 : i32
    %dma_start3A_28 = arith.constant 0 : i32
    %dma_start3A_29 = tpu.memref_slice %arg9[%dma_start3A_27, %dma_start3A_28] : memref<512x128xf32, #tpu.memory_space<vmem>> -> memref<128x128xf32, #tpu.memory_space<vmem>>
    %dma_start3A_30 = arith.constant 0 : i32
    %dma_start3A_31 = tpu.memref_slice %arg8[%dma_start3A_26, %dma_start3A_30] : memref<4x128xi32, #tpu.memory_space<vmem>> -> memref<1x128xi32, #tpu.memory_space<vmem>>
    %dma_start3A_32 = tpu.memref_squeeze %dma_start3A_31 : memref<1x128xi32, #tpu.memory_space<vmem>> -> memref<128xi32, #tpu.memory_space<vmem>>
    %dma_start3A_33 = arith.constant 0 : i32
    %dma_start3A_34 = arith.constant 0 : i32
    %dma_start3A_35 = tpu.memref_slice %arg3[%dma_start3A_33, %dma_start3A_34] : memref<100000x128xf32, #tpu.memory_space<hbm>> -> memref<100000x128xf32, #tpu.memory_space<hbm>>
    tpu.enqueue_indirect_dma source(%dma_start3A_35 : memref<100000x128xf32, #tpu.memory_space<hbm>>) target(%dma_start3A_29 : memref<128x128xf32, #tpu.memory_space<vmem>>) offsets(%dma_start3A_32 : memref<128xi32, #tpu.memory_space<vmem>>) semaphore(%arg10 : memref<!tpu.dma_semaphore, #tpu.memory_space<semaphore_mem>>)
    %dma_start3A_36 = arith.constant 3 : i32
    %dma_start3A_37 = arith.constant 384 : i32
    %dma_start3A_38 = arith.constant 0 : i32
    %dma_start3A_39 = tpu.memref_slice %arg9[%dma_start3A_37, %dma_start3A_38] : memref<512x128xf32, #tpu.memory_space<vmem>> -> memref<128x128xf32, #tpu.memory_space<vmem>>
    %dma_start3A_40 = arith.constant 0 : i32
    %dma_start3A_41 = tpu.memref_slice %arg8[%dma_start3A_36, %dma_start3A_40] : memref<4x128xi32, #tpu.memory_space<vmem>> -> memref<1x128xi32, #tpu.memory_space<vmem>>
    %dma_start3A_42 = tpu.memref_squeeze %dma_start3A_41 : memref<1x128xi32, #tpu.memory_space<vmem>> -> memref<128xi32, #tpu.memory_space<vmem>>
    %dma_start3A_43 = arith.constant 0 : i32
    %dma_start3A_44 = arith.constant 0 : i32
    %dma_start3A_45 = tpu.memref_slice %arg3[%dma_start3A_43, %dma_start3A_44] : memref<100000x128xf32, #tpu.memory_space<hbm>> -> memref<100000x128xf32, #tpu.memory_space<hbm>>
    tpu.enqueue_indirect_dma source(%dma_start3A_45 : memref<100000x128xf32, #tpu.memory_space<hbm>>) target(%dma_start3A_39 : memref<128x128xf32, #tpu.memory_space<vmem>>) offsets(%dma_start3A_42 : memref<128xi32, #tpu.memory_space<vmem>>) semaphore(%arg10 : memref<!tpu.dma_semaphore, #tpu.memory_space<semaphore_mem>>)
    %dma_wait3A = arith.constant 0 : i32
    %dma_wait3A_46 = arith.constant 0 : i32
    %dma_wait3A_47 = arith.constant 0 : i32
    %dma_wait3A_48 = tpu.memref_slice %arg9[%dma_wait3A_46, %dma_wait3A_47] : memref<512x128xf32, #tpu.memory_space<vmem>> -> memref<128x128xf32, #tpu.memory_space<vmem>>
    %dma_wait3A_49 = arith.constant 0 : i32
    %dma_wait3A_50 = tpu.memref_slice %arg8[%dma_wait3A, %dma_wait3A_49] : memref<4x128xi32, #tpu.memory_space<vmem>> -> memref<1x128xi32, #tpu.memory_space<vmem>>
    %dma_wait3A_51 = tpu.memref_squeeze %dma_wait3A_50 : memref<1x128xi32, #tpu.memory_space<vmem>> -> memref<128xi32, #tpu.memory_space<vmem>>
    %dma_wait3A_52 = arith.constant 0 : i32
    %dma_wait3A_53 = arith.constant 0 : i32
    %dma_wait3A_54 = tpu.memref_slice %arg2[%dma_wait3A_52, %dma_wait3A_53] : memref<100000x128xf32, #tpu.memory_space<hbm>> -> memref<100000x128xf32, #tpu.memory_space<hbm>>
    tpu.wait_indirect_dma semaphore(%arg10 : memref<!tpu.dma_semaphore, #tpu.memory_space<semaphore_mem>>) src(%dma_wait3A_54 : memref<100000x128xf32, #tpu.memory_space<hbm>>) dst(%dma_wait3A_48 : memref<128x128xf32, #tpu.memory_space<vmem>>)
    %add3A_55 = arith.constant 0 : i32
    %add3A_56 = arith.addi %mul3A_2, %add3A_55 : i32
    %dma_start3A_57 = arith.constant 0 : i32
    %dma_start3A_58 = arith.constant 0 : i32
    %dma_start3A_59 = tpu.memref_slice %arg9[%dma_start3A_57, %dma_start3A_58] : memref<512x128xf32, #tpu.memory_space<vmem>> -> memref<128x128xf32, #tpu.memory_space<vmem>>
    %dma_start3A_60 = arith.constant 0 : i32
    %dma_start3A_61 = tpu.memref_slice %arg6[%add3A_56, %dma_start3A_60] : memref<8192x128xf32, #tpu.memory_space<hbm>> -> memref<128x128xf32, #tpu.memory_space<hbm>>
    %dma_start3A_62 = arith.constant 0 : i32
    %dma_start3A_63 = tpu.memref_slice %arg6[%add3A_56, %dma_start3A_62] : memref<8192x128xf32, #tpu.memory_space<hbm>> -> memref<128x128xf32, #tpu.memory_space<hbm>>
    %dma_start3A_64 = arith.constant 0 : i32
    %dma_start3A_65 = arith.constant 0 : i32
    %dma_start3A_66 = tpu.memref_slice %arg9[%dma_start3A_64, %dma_start3A_65] : memref<512x128xf32, #tpu.memory_space<vmem>> -> memref<128x128xf32, #tpu.memory_space<vmem>>
    tpu.enqueue_dma source(%dma_start3A_66 : memref<128x128xf32, #tpu.memory_space<vmem>>) target(%dma_start3A_63 : memref<128x128xf32, #tpu.memory_space<hbm>>) target_semaphore(%arg11 : memref<!tpu.dma_semaphore, #tpu.memory_space<semaphore_mem>>)
    %dma_wait3A_67 = arith.constant 1 : i32
    %dma_wait3A_68 = arith.constant 128 : i32
    %dma_wait3A_69 = arith.constant 0 : i32
    %dma_wait3A_70 = tpu.memref_slice %arg9[%dma_wait3A_68, %dma_wait3A_69] : memref<512x128xf32, #tpu.memory_space<vmem>> -> memref<128x128xf32, #tpu.memory_space<vmem>>
    %dma_wait3A_71 = arith.constant 0 : i32
    %dma_wait3A_72 = tpu.memref_slice %arg8[%dma_wait3A_67, %dma_wait3A_71] : memref<4x128xi32, #tpu.memory_space<vmem>> -> memref<1x128xi32, #tpu.memory_space<vmem>>
    %dma_wait3A_73 = tpu.memref_squeeze %dma_wait3A_72 : memref<1x128xi32, #tpu.memory_space<vmem>> -> memref<128xi32, #tpu.memory_space<vmem>>
    %dma_wait3A_74 = arith.constant 0 : i32
    %dma_wait3A_75 = arith.constant 0 : i32
    %dma_wait3A_76 = tpu.memref_slice %arg2[%dma_wait3A_74, %dma_wait3A_75] : memref<100000x128xf32, #tpu.memory_space<hbm>> -> memref<100000x128xf32, #tpu.memory_space<hbm>>
    tpu.wait_indirect_dma semaphore(%arg10 : memref<!tpu.dma_semaphore, #tpu.memory_space<semaphore_mem>>) src(%dma_wait3A_76 : memref<100000x128xf32, #tpu.memory_space<hbm>>) dst(%dma_wait3A_70 : memref<128x128xf32, #tpu.memory_space<vmem>>)
    %add3A_77 = arith.constant 128 : i32
    %add3A_78 = arith.addi %mul3A_2, %add3A_77 : i32
    %dma_start3A_79 = arith.constant 128 : i32
    %dma_start3A_80 = arith.constant 0 : i32
    %dma_start3A_81 = tpu.memref_slice %arg9[%dma_start3A_79, %dma_start3A_80] : memref<512x128xf32, #tpu.memory_space<vmem>> -> memref<128x128xf32, #tpu.memory_space<vmem>>
    %dma_start3A_82 = arith.constant 0 : i32
    %dma_start3A_83 = tpu.memref_slice %arg6[%add3A_78, %dma_start3A_82] : memref<8192x128xf32, #tpu.memory_space<hbm>> -> memref<128x128xf32, #tpu.memory_space<hbm>>
    %dma_start3A_84 = arith.constant 0 : i32
    %dma_start3A_85 = tpu.memref_slice %arg6[%add3A_78, %dma_start3A_84] : memref<8192x128xf32, #tpu.memory_space<hbm>> -> memref<128x128xf32, #tpu.memory_space<hbm>>
    %dma_start3A_86 = arith.constant 128 : i32
    %dma_start3A_87 = arith.constant 0 : i32
    %dma_start3A_88 = tpu.memref_slice %arg9[%dma_start3A_86, %dma_start3A_87] : memref<512x128xf32, #tpu.memory_space<vmem>> -> memref<128x128xf32, #tpu.memory_space<vmem>>
    tpu.enqueue_dma source(%dma_start3A_88 : memref<128x128xf32, #tpu.memory_space<vmem>>) target(%dma_start3A_85 : memref<128x128xf32, #tpu.memory_space<hbm>>) target_semaphore(%arg11 : memref<!tpu.dma_semaphore, #tpu.memory_space<semaphore_mem>>)
    %dma_wait3A_89 = arith.constant 2 : i32
    %dma_wait3A_90 = arith.constant 256 : i32
    %dma_wait3A_91 = arith.constant 0 : i32
    %dma_wait3A_92 = tpu.memref_slice %arg9[%dma_wait3A_90, %dma_wait3A_91] : memref<512x128xf32, #tpu.memory_space<vmem>> -> memref<128x128xf32, #tpu.memory_space<vmem>>
    %dma_wait3A_93 = arith.constant 0 : i32
    %dma_wait3A_94 = tpu.memref_slice %arg8[%dma_wait3A_89, %dma_wait3A_93] : memref<4x128xi32, #tpu.memory_space<vmem>> -> memref<1x128xi32, #tpu.memory_space<vmem>>
    %dma_wait3A_95 = tpu.memref_squeeze %dma_wait3A_94 : memref<1x128xi32, #tpu.memory_space<vmem>> -> memref<128xi32, #tpu.memory_space<vmem>>
    %dma_wait3A_96 = arith.constant 0 : i32
    %dma_wait3A_97 = arith.constant 0 : i32
    %dma_wait3A_98 = tpu.memref_slice %arg3[%dma_wait3A_96, %dma_wait3A_97] : memref<100000x128xf32, #tpu.memory_space<hbm>> -> memref<100000x128xf32, #tpu.memory_space<hbm>>
    tpu.wait_indirect_dma semaphore(%arg10 : memref<!tpu.dma_semaphore, #tpu.memory_space<semaphore_mem>>) src(%dma_wait3A_98 : memref<100000x128xf32, #tpu.memory_space<hbm>>) dst(%dma_wait3A_92 : memref<128x128xf32, #tpu.memory_space<vmem>>)
    %add3A_99 = arith.constant 0 : i32
    %add3A_100 = arith.addi %mul3A_2, %add3A_99 : i32
    %dma_start3A_101 = arith.constant 256 : i32
    %dma_start3A_102 = arith.constant 0 : i32
    %dma_start3A_103 = tpu.memref_slice %arg9[%dma_start3A_101, %dma_start3A_102] : memref<512x128xf32, #tpu.memory_space<vmem>> -> memref<128x128xf32, #tpu.memory_space<vmem>>
    %dma_start3A_104 = arith.constant 0 : i32
    %dma_start3A_105 = tpu.memref_slice %arg7[%add3A_100, %dma_start3A_104] : memref<8192x128xf32, #tpu.memory_space<hbm>> -> memref<128x128xf32, #tpu.memory_space<hbm>>
    %dma_start3A_106 = arith.constant 0 : i32
    %dma_start3A_107 = tpu.memref_slice %arg7[%add3A_100, %dma_start3A_106] : memref<8192x128xf32, #tpu.memory_space<hbm>> -> memref<128x128xf32, #tpu.memory_space<hbm>>
    %dma_start3A_108 = arith.constant 256 : i32
    %dma_start3A_109 = arith.constant 0 : i32
    %dma_start3A_110 = tpu.memref_slice %arg9[%dma_start3A_108, %dma_start3A_109] : memref<512x128xf32, #tpu.memory_space<vmem>> -> memref<128x128xf32, #tpu.memory_space<vmem>>
    tpu.enqueue_dma source(%dma_start3A_110 : memref<128x128xf32, #tpu.memory_space<vmem>>) target(%dma_start3A_107 : memref<128x128xf32, #tpu.memory_space<hbm>>) target_semaphore(%arg11 : memref<!tpu.dma_semaphore, #tpu.memory_space<semaphore_mem>>)
    %dma_wait3A_111 = arith.constant 3 : i32
    %dma_wait3A_112 = arith.constant 384 : i32
    %dma_wait3A_113 = arith.constant 0 : i32
    %dma_wait3A_114 = tpu.memref_slice %arg9[%dma_wait3A_112, %dma_wait3A_113] : memref<512x128xf32, #tpu.memory_space<vmem>> -> memref<128x128xf32, #tpu.memory_space<vmem>>
    %dma_wait3A_115 = arith.constant 0 : i32
    %dma_wait3A_116 = tpu.memref_slice %arg8[%dma_wait3A_111, %dma_wait3A_115] : memref<4x128xi32, #tpu.memory_space<vmem>> -> memref<1x128xi32, #tpu.memory_space<vmem>>
    %dma_wait3A_117 = tpu.memref_squeeze %dma_wait3A_116 : memref<1x128xi32, #tpu.memory_space<vmem>> -> memref<128xi32, #tpu.memory_space<vmem>>
    %dma_wait3A_118 = arith.constant 0 : i32
    %dma_wait3A_119 = arith.constant 0 : i32
    %dma_wait3A_120 = tpu.memref_slice %arg3[%dma_wait3A_118, %dma_wait3A_119] : memref<100000x128xf32, #tpu.memory_space<hbm>> -> memref<100000x128xf32, #tpu.memory_space<hbm>>
    tpu.wait_indirect_dma semaphore(%arg10 : memref<!tpu.dma_semaphore, #tpu.memory_space<semaphore_mem>>) src(%dma_wait3A_120 : memref<100000x128xf32, #tpu.memory_space<hbm>>) dst(%dma_wait3A_114 : memref<128x128xf32, #tpu.memory_space<vmem>>)
    %add3A_121 = arith.constant 128 : i32
    %add3A_122 = arith.addi %mul3A_2, %add3A_121 : i32
    %dma_start3A_123 = arith.constant 384 : i32
    %dma_start3A_124 = arith.constant 0 : i32
    %dma_start3A_125 = tpu.memref_slice %arg9[%dma_start3A_123, %dma_start3A_124] : memref<512x128xf32, #tpu.memory_space<vmem>> -> memref<128x128xf32, #tpu.memory_space<vmem>>
    %dma_start3A_126 = arith.constant 0 : i32
    %dma_start3A_127 = tpu.memref_slice %arg7[%add3A_122, %dma_start3A_126] : memref<8192x128xf32, #tpu.memory_space<hbm>> -> memref<128x128xf32, #tpu.memory_space<hbm>>
    %dma_start3A_128 = arith.constant 0 : i32
    %dma_start3A_129 = tpu.memref_slice %arg7[%add3A_122, %dma_start3A_128] : memref<8192x128xf32, #tpu.memory_space<hbm>> -> memref<128x128xf32, #tpu.memory_space<hbm>>
    %dma_start3A_130 = arith.constant 384 : i32
    %dma_start3A_131 = arith.constant 0 : i32
    %dma_start3A_132 = tpu.memref_slice %arg9[%dma_start3A_130, %dma_start3A_131] : memref<512x128xf32, #tpu.memory_space<vmem>> -> memref<128x128xf32, #tpu.memory_space<vmem>>
    tpu.enqueue_dma source(%dma_start3A_132 : memref<128x128xf32, #tpu.memory_space<vmem>>) target(%dma_start3A_129 : memref<128x128xf32, #tpu.memory_space<hbm>>) target_semaphore(%arg11 : memref<!tpu.dma_semaphore, #tpu.memory_space<semaphore_mem>>)
    %dma_wait3A_133 = arith.constant 0 : i32
    %dma_wait3A_134 = arith.constant 0 : i32
    %dma_wait3A_135 = tpu.memref_slice %arg9[%dma_wait3A_133, %dma_wait3A_134] : memref<512x128xf32, #tpu.memory_space<vmem>> -> memref<128x128xf32, #tpu.memory_space<vmem>>
    %dma_wait3A_136 = arith.constant 0 : i32
    %dma_wait3A_137 = tpu.memref_slice %arg6[%add3A_56, %dma_wait3A_136] : memref<8192x128xf32, #tpu.memory_space<hbm>> -> memref<128x128xf32, #tpu.memory_space<hbm>>
    %dma_wait3A_138 = arith.constant 0 : i32
    %dma_wait3A_139 = tpu.memref_slice %arg6[%add3A_56, %dma_wait3A_138] : memref<8192x128xf32, #tpu.memory_space<hbm>> -> memref<128x128xf32, #tpu.memory_space<hbm>>
    %dma_wait3A_140 = arith.constant 0 : i32
    %dma_wait3A_141 = arith.constant 0 : i32
    %dma_wait3A_142 = tpu.memref_slice %arg9[%dma_wait3A_140, %dma_wait3A_141] : memref<512x128xf32, #tpu.memory_space<vmem>> -> memref<128x128xf32, #tpu.memory_space<vmem>>
    tpu.wait_dma2 semaphore(%arg11 : memref<!tpu.dma_semaphore, #tpu.memory_space<semaphore_mem>>) src(%dma_wait3A_142 : memref<128x128xf32, #tpu.memory_space<vmem>>) dst(%dma_wait3A_139 : memref<128x128xf32, #tpu.memory_space<hbm>>)
    %dma_wait3A_143 = arith.constant 128 : i32
    %dma_wait3A_144 = arith.constant 0 : i32
    %dma_wait3A_145 = tpu.memref_slice %arg9[%dma_wait3A_143, %dma_wait3A_144] : memref<512x128xf32, #tpu.memory_space<vmem>> -> memref<128x128xf32, #tpu.memory_space<vmem>>
    %dma_wait3A_146 = arith.constant 0 : i32
    %dma_wait3A_147 = tpu.memref_slice %arg6[%add3A_78, %dma_wait3A_146] : memref<8192x128xf32, #tpu.memory_space<hbm>> -> memref<128x128xf32, #tpu.memory_space<hbm>>
    %dma_wait3A_148 = arith.constant 0 : i32
    %dma_wait3A_149 = tpu.memref_slice %arg6[%add3A_78, %dma_wait3A_148] : memref<8192x128xf32, #tpu.memory_space<hbm>> -> memref<128x128xf32, #tpu.memory_space<hbm>>
    %dma_wait3A_150 = arith.constant 128 : i32
    %dma_wait3A_151 = arith.constant 0 : i32
    %dma_wait3A_152 = tpu.memref_slice %arg9[%dma_wait3A_150, %dma_wait3A_151] : memref<512x128xf32, #tpu.memory_space<vmem>> -> memref<128x128xf32, #tpu.memory_space<vmem>>
    tpu.wait_dma2 semaphore(%arg11 : memref<!tpu.dma_semaphore, #tpu.memory_space<semaphore_mem>>) src(%dma_wait3A_152 : memref<128x128xf32, #tpu.memory_space<vmem>>) dst(%dma_wait3A_149 : memref<128x128xf32, #tpu.memory_space<hbm>>)
    %dma_wait3A_153 = arith.constant 256 : i32
    %dma_wait3A_154 = arith.constant 0 : i32
    %dma_wait3A_155 = tpu.memref_slice %arg9[%dma_wait3A_153, %dma_wait3A_154] : memref<512x128xf32, #tpu.memory_space<vmem>> -> memref<128x128xf32, #tpu.memory_space<vmem>>
    %dma_wait3A_156 = arith.constant 0 : i32
    %dma_wait3A_157 = tpu.memref_slice %arg7[%add3A_100, %dma_wait3A_156] : memref<8192x128xf32, #tpu.memory_space<hbm>> -> memref<128x128xf32, #tpu.memory_space<hbm>>
    %dma_wait3A_158 = arith.constant 0 : i32
    %dma_wait3A_159 = tpu.memref_slice %arg7[%add3A_100, %dma_wait3A_158] : memref<8192x128xf32, #tpu.memory_space<hbm>> -> memref<128x128xf32, #tpu.memory_space<hbm>>
    %dma_wait3A_160 = arith.constant 256 : i32
    %dma_wait3A_161 = arith.constant 0 : i32
    %dma_wait3A_162 = tpu.memref_slice %arg9[%dma_wait3A_160, %dma_wait3A_161] : memref<512x128xf32, #tpu.memory_space<vmem>> -> memref<128x128xf32, #tpu.memory_space<vmem>>
    tpu.wait_dma2 semaphore(%arg11 : memref<!tpu.dma_semaphore, #tpu.memory_space<semaphore_mem>>) src(%dma_wait3A_162 : memref<128x128xf32, #tpu.memory_space<vmem>>) dst(%dma_wait3A_159 : memref<128x128xf32, #tpu.memory_space<hbm>>)
    %dma_wait3A_163 = arith.constant 384 : i32
    %dma_wait3A_164 = arith.constant 0 : i32
    %dma_wait3A_165 = tpu.memref_slice %arg9[%dma_wait3A_163, %dma_wait3A_164] : memref<512x128xf32, #tpu.memory_space<vmem>> -> memref<128x128xf32, #tpu.memory_space<vmem>>
    %dma_wait3A_166 = arith.constant 0 : i32
    %dma_wait3A_167 = tpu.memref_slice %arg7[%add3A_122, %dma_wait3A_166] : memref<8192x128xf32, #tpu.memory_space<hbm>> -> memref<128x128xf32, #tpu.memory_space<hbm>>
    %dma_wait3A_168 = arith.constant 0 : i32
    %dma_wait3A_169 = tpu.memref_slice %arg7[%add3A_122, %dma_wait3A_168] : memref<8192x128xf32, #tpu.memory_space<hbm>> -> memref<128x128xf32, #tpu.memory_space<hbm>>
    %dma_wait3A_170 = arith.constant 384 : i32
    %dma_wait3A_171 = arith.constant 0 : i32
    %dma_wait3A_172 = tpu.memref_slice %arg9[%dma_wait3A_170, %dma_wait3A_171] : memref<512x128xf32, #tpu.memory_space<vmem>> -> memref<128x128xf32, #tpu.memory_space<vmem>>
    tpu.wait_dma2 semaphore(%arg11 : memref<!tpu.dma_semaphore, #tpu.memory_space<semaphore_mem>>) src(%dma_wait3A_172 : memref<128x128xf32, #tpu.memory_space<vmem>>) dst(%dma_wait3A_169 : memref<128x128xf32, #tpu.memory_space<hbm>>)
    return
  }
}

#map = affine_map<(d0, d1) -> (0, 0)>
module attributes {stable_mosaic.version = 14 : i64} {
  func.func @gather(%arg0: i32, %arg1: i32, %arg2: memref<100000x128xf32, #tpu.memory_space<hbm>>, %arg3: memref<100000x128xf32, #tpu.memory_space<hbm>>, %arg4: memref<64x128xi32, #tpu.memory_space<hbm>>, %arg5: memref<64x128xi32, #tpu.memory_space<hbm>>, %arg6: memref<8192x128xf32, #tpu.memory_space<hbm>>, %arg7: memref<8192x128xf32, #tpu.memory_space<hbm>>, %arg8: memref<4x128xi32, #tpu.memory_space<vmem>>, %arg9: memref<512x128xf32, #tpu.memory_space<vmem>>, %arg10: memref<!tpu.dma_semaphore, #tpu.memory_space<semaphore_mem>>, %arg11: memref<!tpu.dma_semaphore, #tpu.memory_space<semaphore_mem>>) attributes {dimension_semantics = [#tpu.dimension_semantics<core_parallel>, #tpu.dimension_semantics<subcore_parallel>], iteration_bounds = array<i64: 2, 16>, scalar_prefetch = 0 : i64, scratch_operands = 4 : i64, tpu.core_type = #tpu.core_type<sc_vector_subcore>, window_params = [{transform_indices = #map}, {transform_indices = #map}, {transform_indices = #map}, {transform_indices = #map}, {transform_indices = #map}, {transform_indices = #map}]} {
    %mul3A = arith.constant 2 : i32
    %mul3A_0 = arith.muli %arg1, %mul3A : i32
    %add3A = arith.addi %mul3A_0, %arg0 : i32
    %mul3A_1 = arith.constant 256 : i32
    %mul3A_2 = arith.muli %add3A, %mul3A_1 : i32
    %mul3A_3 = arith.constant 2 : i32
    %mul3A_4 = arith.muli %add3A, %mul3A_3 : i32
    "tpu.region"() ({
      %run_scoped3A = tpu.sem_alloc : memref<!tpu.dma_semaphore, #tpu.memory_space<semaphore_mem>>
      %dma_start3A_173 = arith.constant 0 : i32
      %dma_start3A_174 = arith.constant 0 : i32
      %dma_start3A_175 = tpu.memref_slice %arg8[%dma_start3A_173, %dma_start3A_174] : memref<4x128xi32, #tpu.memory_space<vmem>> -> memref<2x128xi32, #tpu.memory_space<vmem>>
      %dma_start3A_176 = arith.constant 0 : i32
      %dma_start3A_177 = tpu.memref_slice %arg4[%mul3A_4, %dma_start3A_176] : memref<64x128xi32, #tpu.memory_space<hbm>> -> memref<2x128xi32, #tpu.memory_space<hbm>>
      %dma_start3A_178 = arith.constant 0 : i32
      %dma_start3A_179 = arith.constant 0 : i32
      %dma_start3A_180 = tpu.memref_slice %arg8[%dma_start3A_178, %dma_start3A_179] : memref<4x128xi32, #tpu.memory_space<vmem>> -> memref<2x128xi32, #tpu.memory_space<vmem>>
      %dma_start3A_181 = arith.constant 0 : i32
      %dma_start3A_182 = tpu.memref_slice %arg4[%mul3A_4, %dma_start3A_181] : memref<64x128xi32, #tpu.memory_space<hbm>> -> memref<2x128xi32, #tpu.memory_space<hbm>>
      tpu.enqueue_dma source(%dma_start3A_182 : memref<2x128xi32, #tpu.memory_space<hbm>>) target(%dma_start3A_180 : memref<2x128xi32, #tpu.memory_space<vmem>>) target_semaphore(%run_scoped3A : memref<!tpu.dma_semaphore, #tpu.memory_space<semaphore_mem>>)
      %dma_wait3A_183 = arith.constant 0 : i32
      %dma_wait3A_184 = arith.constant 0 : i32
      %dma_wait3A_185 = tpu.memref_slice %arg8[%dma_wait3A_183, %dma_wait3A_184] : memref<4x128xi32, #tpu.memory_space<vmem>> -> memref<2x128xi32, #tpu.memory_space<vmem>>
      %dma_wait3A_186 = arith.constant 0 : i32
      %dma_wait3A_187 = tpu.memref_slice %arg4[%mul3A_4, %dma_wait3A_186] : memref<64x128xi32, #tpu.memory_space<hbm>> -> memref<2x128xi32, #tpu.memory_space<hbm>>
      %dma_wait3A_188 = arith.constant 0 : i32
      %dma_wait3A_189 = arith.constant 0 : i32
      %dma_wait3A_190 = tpu.memref_slice %arg8[%dma_wait3A_188, %dma_wait3A_189] : memref<4x128xi32, #tpu.memory_space<vmem>> -> memref<2x128xi32, #tpu.memory_space<vmem>>
      %dma_wait3A_191 = arith.constant 0 : i32
      %dma_wait3A_192 = tpu.memref_slice %arg4[%mul3A_4, %dma_wait3A_191] : memref<64x128xi32, #tpu.memory_space<hbm>> -> memref<2x128xi32, #tpu.memory_space<hbm>>
      tpu.wait_dma2 semaphore(%run_scoped3A : memref<!tpu.dma_semaphore, #tpu.memory_space<semaphore_mem>>) src(%dma_wait3A_192 : memref<2x128xi32, #tpu.memory_space<hbm>>) dst(%dma_wait3A_190 : memref<2x128xi32, #tpu.memory_space<vmem>>)
      tpu.yield
    }) : () -> ()
    %mul3A_5 = arith.constant 2 : i32
    %mul3A_6 = arith.muli %add3A, %mul3A_5 : i32
    "tpu.region"() ({
      %run_scoped3A = tpu.sem_alloc : memref<!tpu.dma_semaphore, #tpu.memory_space<semaphore_mem>>
      %dma_start3A_173 = arith.constant 2 : i32
      %dma_start3A_174 = arith.constant 0 : i32
      %dma_start3A_175 = tpu.memref_slice %arg8[%dma_start3A_173, %dma_start3A_174] : memref<4x128xi32, #tpu.memory_space<vmem>> -> memref<2x128xi32, #tpu.memory_space<vmem>>
      %dma_start3A_176 = arith.constant 0 : i32
      %dma_start3A_177 = tpu.memref_slice %arg5[%mul3A_6, %dma_start3A_176] : memref<64x128xi32, #tpu.memory_space<hbm>> -> memref<2x128xi32, #tpu.memory_space<hbm>>
      %dma_start3A_178 = arith.constant 2 : i32
      %dma_start3A_179 = arith.constant 0 : i32
      %dma_start3A_180 = tpu.memref_slice %arg8[%dma_start3A_178, %dma_start3A_179] : memref<4x128xi32, #tpu.memory_space<vmem>> -> memref<2x128xi32, #tpu.memory_space<vmem>>
      %dma_start3A_181 = arith.constant 0 : i32
      %dma_start3A_182 = tpu.memref_slice %arg5[%mul3A_6, %dma_start3A_181] : memref<64x128xi32, #tpu.memory_space<hbm>> -> memref<2x128xi32, #tpu.memory_space<hbm>>
      tpu.enqueue_dma source(%dma_start3A_182 : memref<2x128xi32, #tpu.memory_space<hbm>>) target(%dma_start3A_180 : memref<2x128xi32, #tpu.memory_space<vmem>>) target_semaphore(%run_scoped3A : memref<!tpu.dma_semaphore, #tpu.memory_space<semaphore_mem>>)
      %dma_wait3A_183 = arith.constant 2 : i32
      %dma_wait3A_184 = arith.constant 0 : i32
      %dma_wait3A_185 = tpu.memref_slice %arg8[%dma_wait3A_183, %dma_wait3A_184] : memref<4x128xi32, #tpu.memory_space<vmem>> -> memref<2x128xi32, #tpu.memory_space<vmem>>
      %dma_wait3A_186 = arith.constant 0 : i32
      %dma_wait3A_187 = tpu.memref_slice %arg5[%mul3A_6, %dma_wait3A_186] : memref<64x128xi32, #tpu.memory_space<hbm>> -> memref<2x128xi32, #tpu.memory_space<hbm>>
      %dma_wait3A_188 = arith.constant 2 : i32
      %dma_wait3A_189 = arith.constant 0 : i32
      %dma_wait3A_190 = tpu.memref_slice %arg8[%dma_wait3A_188, %dma_wait3A_189] : memref<4x128xi32, #tpu.memory_space<vmem>> -> memref<2x128xi32, #tpu.memory_space<vmem>>
      %dma_wait3A_191 = arith.constant 0 : i32
      %dma_wait3A_192 = tpu.memref_slice %arg5[%mul3A_6, %dma_wait3A_191] : memref<64x128xi32, #tpu.memory_space<hbm>> -> memref<2x128xi32, #tpu.memory_space<hbm>>
      tpu.wait_dma2 semaphore(%run_scoped3A : memref<!tpu.dma_semaphore, #tpu.memory_space<semaphore_mem>>) src(%dma_wait3A_192 : memref<2x128xi32, #tpu.memory_space<hbm>>) dst(%dma_wait3A_190 : memref<2x128xi32, #tpu.memory_space<vmem>>)
      tpu.yield
    }) : () -> ()
    %dma_start3A = arith.constant 0 : i32
    %dma_start3A_7 = arith.constant 0 : i32
    %dma_start3A_8 = arith.constant 0 : i32
    %dma_start3A_9 = tpu.memref_slice %arg9[%dma_start3A_7, %dma_start3A_8] : memref<512x128xf32, #tpu.memory_space<vmem>> -> memref<128x128xf32, #tpu.memory_space<vmem>>
    %dma_start3A_10 = arith.constant 0 : i32
    %dma_start3A_11 = tpu.memref_slice %arg8[%dma_start3A, %dma_start3A_10] : memref<4x128xi32, #tpu.memory_space<vmem>> -> memref<1x128xi32, #tpu.memory_space<vmem>>
    %dma_start3A_12 = tpu.memref_squeeze %dma_start3A_11 : memref<1x128xi32, #tpu.memory_space<vmem>> -> memref<128xi32, #tpu.memory_space<vmem>>
    %dma_start3A_13 = arith.constant 0 : i32
    %dma_start3A_14 = arith.constant 0 : i32
    %dma_start3A_15 = tpu.memref_slice %arg2[%dma_start3A_13, %dma_start3A_14] : memref<100000x128xf32, #tpu.memory_space<hbm>> -> memref<100000x128xf32, #tpu.memory_space<hbm>>
    tpu.enqueue_indirect_dma source(%dma_start3A_15 : memref<100000x128xf32, #tpu.memory_space<hbm>>) target(%dma_start3A_9 : memref<128x128xf32, #tpu.memory_space<vmem>>) offsets(%dma_start3A_12 : memref<128xi32, #tpu.memory_space<vmem>>) semaphore(%arg10 : memref<!tpu.dma_semaphore, #tpu.memory_space<semaphore_mem>>)
    %dma_start3A_16 = arith.constant 1 : i32
    %dma_start3A_17 = arith.constant 128 : i32
    %dma_start3A_18 = arith.constant 0 : i32
    %dma_start3A_19 = tpu.memref_slice %arg9[%dma_start3A_17, %dma_start3A_18] : memref<512x128xf32, #tpu.memory_space<vmem>> -> memref<128x128xf32, #tpu.memory_space<vmem>>
    %dma_start3A_20 = arith.constant 0 : i32
    %dma_start3A_21 = tpu.memref_slice %arg8[%dma_start3A_16, %dma_start3A_20] : memref<4x128xi32, #tpu.memory_space<vmem>> -> memref<1x128xi32, #tpu.memory_space<vmem>>
    %dma_start3A_22 = tpu.memref_squeeze %dma_start3A_21 : memref<1x128xi32, #tpu.memory_space<vmem>> -> memref<128xi32, #tpu.memory_space<vmem>>
    %dma_start3A_23 = arith.constant 0 : i32
    %dma_start3A_24 = arith.constant 0 : i32
    %dma_start3A_25 = tpu.memref_slice %arg2[%dma_start3A_23, %dma_start3A_24] : memref<100000x128xf32, #tpu.memory_space<hbm>> -> memref<100000x128xf32, #tpu.memory_space<hbm>>
    tpu.enqueue_indirect_dma source(%dma_start3A_25 : memref<100000x128xf32, #tpu.memory_space<hbm>>) target(%dma_start3A_19 : memref<128x128xf32, #tpu.memory_space<vmem>>) offsets(%dma_start3A_22 : memref<128xi32, #tpu.memory_space<vmem>>) semaphore(%arg10 : memref<!tpu.dma_semaphore, #tpu.memory_space<semaphore_mem>>)
    %dma_start3A_26 = arith.constant 2 : i32
    %dma_start3A_27 = arith.constant 256 : i32
    %dma_start3A_28 = arith.constant 0 : i32
    %dma_start3A_29 = tpu.memref_slice %arg9[%dma_start3A_27, %dma_start3A_28] : memref<512x128xf32, #tpu.memory_space<vmem>> -> memref<128x128xf32, #tpu.memory_space<vmem>>
    %dma_start3A_30 = arith.constant 0 : i32
    %dma_start3A_31 = tpu.memref_slice %arg8[%dma_start3A_26, %dma_start3A_30] : memref<4x128xi32, #tpu.memory_space<vmem>> -> memref<1x128xi32, #tpu.memory_space<vmem>>
    %dma_start3A_32 = tpu.memref_squeeze %dma_start3A_31 : memref<1x128xi32, #tpu.memory_space<vmem>> -> memref<128xi32, #tpu.memory_space<vmem>>
    %dma_start3A_33 = arith.constant 0 : i32
    %dma_start3A_34 = arith.constant 0 : i32
    %dma_start3A_35 = tpu.memref_slice %arg3[%dma_start3A_33, %dma_start3A_34] : memref<100000x128xf32, #tpu.memory_space<hbm>> -> memref<100000x128xf32, #tpu.memory_space<hbm>>
    tpu.enqueue_indirect_dma source(%dma_start3A_35 : memref<100000x128xf32, #tpu.memory_space<hbm>>) target(%dma_start3A_29 : memref<128x128xf32, #tpu.memory_space<vmem>>) offsets(%dma_start3A_32 : memref<128xi32, #tpu.memory_space<vmem>>) semaphore(%arg10 : memref<!tpu.dma_semaphore, #tpu.memory_space<semaphore_mem>>)
    %dma_start3A_36 = arith.constant 3 : i32
    %dma_start3A_37 = arith.constant 384 : i32
    %dma_start3A_38 = arith.constant 0 : i32
    %dma_start3A_39 = tpu.memref_slice %arg9[%dma_start3A_37, %dma_start3A_38] : memref<512x128xf32, #tpu.memory_space<vmem>> -> memref<128x128xf32, #tpu.memory_space<vmem>>
    %dma_start3A_40 = arith.constant 0 : i32
    %dma_start3A_41 = tpu.memref_slice %arg8[%dma_start3A_36, %dma_start3A_40] : memref<4x128xi32, #tpu.memory_space<vmem>> -> memref<1x128xi32, #tpu.memory_space<vmem>>
    %dma_start3A_42 = tpu.memref_squeeze %dma_start3A_41 : memref<1x128xi32, #tpu.memory_space<vmem>> -> memref<128xi32, #tpu.memory_space<vmem>>
    %dma_start3A_43 = arith.constant 0 : i32
    %dma_start3A_44 = arith.constant 0 : i32
    %dma_start3A_45 = tpu.memref_slice %arg3[%dma_start3A_43, %dma_start3A_44] : memref<100000x128xf32, #tpu.memory_space<hbm>> -> memref<100000x128xf32, #tpu.memory_space<hbm>>
    tpu.enqueue_indirect_dma source(%dma_start3A_45 : memref<100000x128xf32, #tpu.memory_space<hbm>>) target(%dma_start3A_39 : memref<128x128xf32, #tpu.memory_space<vmem>>) offsets(%dma_start3A_42 : memref<128xi32, #tpu.memory_space<vmem>>) semaphore(%arg10 : memref<!tpu.dma_semaphore, #tpu.memory_space<semaphore_mem>>)
    %dma_wait3A = arith.constant 0 : i32
    %dma_wait3A_46 = arith.constant 0 : i32
    %dma_wait3A_47 = arith.constant 0 : i32
    %dma_wait3A_48 = tpu.memref_slice %arg9[%dma_wait3A_46, %dma_wait3A_47] : memref<512x128xf32, #tpu.memory_space<vmem>> -> memref<128x128xf32, #tpu.memory_space<vmem>>
    %dma_wait3A_49 = arith.constant 0 : i32
    %dma_wait3A_50 = tpu.memref_slice %arg8[%dma_wait3A, %dma_wait3A_49] : memref<4x128xi32, #tpu.memory_space<vmem>> -> memref<1x128xi32, #tpu.memory_space<vmem>>
    %dma_wait3A_51 = tpu.memref_squeeze %dma_wait3A_50 : memref<1x128xi32, #tpu.memory_space<vmem>> -> memref<128xi32, #tpu.memory_space<vmem>>
    %dma_wait3A_52 = arith.constant 0 : i32
    %dma_wait3A_53 = arith.constant 0 : i32
    %dma_wait3A_54 = tpu.memref_slice %arg2[%dma_wait3A_52, %dma_wait3A_53] : memref<100000x128xf32, #tpu.memory_space<hbm>> -> memref<100000x128xf32, #tpu.memory_space<hbm>>
    tpu.wait_indirect_dma semaphore(%arg10 : memref<!tpu.dma_semaphore, #tpu.memory_space<semaphore_mem>>) src(%dma_wait3A_54 : memref<100000x128xf32, #tpu.memory_space<hbm>>) dst(%dma_wait3A_48 : memref<128x128xf32, #tpu.memory_space<vmem>>)
    %add3A_55 = arith.constant 0 : i32
    %add3A_56 = arith.addi %mul3A_2, %add3A_55 : i32
    %dma_start3A_57 = arith.constant 0 : i32
    %dma_start3A_58 = arith.constant 0 : i32
    %dma_start3A_59 = tpu.memref_slice %arg9[%dma_start3A_57, %dma_start3A_58] : memref<512x128xf32, #tpu.memory_space<vmem>> -> memref<128x128xf32, #tpu.memory_space<vmem>>
    %dma_start3A_60 = arith.constant 0 : i32
    %dma_start3A_61 = tpu.memref_slice %arg6[%add3A_56, %dma_start3A_60] : memref<8192x128xf32, #tpu.memory_space<hbm>> -> memref<128x128xf32, #tpu.memory_space<hbm>>
    %dma_start3A_62 = arith.constant 0 : i32
    %dma_start3A_63 = tpu.memref_slice %arg6[%add3A_56, %dma_start3A_62] : memref<8192x128xf32, #tpu.memory_space<hbm>> -> memref<128x128xf32, #tpu.memory_space<hbm>>
    %dma_start3A_64 = arith.constant 0 : i32
    %dma_start3A_65 = arith.constant 0 : i32
    %dma_start3A_66 = tpu.memref_slice %arg9[%dma_start3A_64, %dma_start3A_65] : memref<512x128xf32, #tpu.memory_space<vmem>> -> memref<128x128xf32, #tpu.memory_space<vmem>>
    tpu.enqueue_dma source(%dma_start3A_66 : memref<128x128xf32, #tpu.memory_space<vmem>>) target(%dma_start3A_63 : memref<128x128xf32, #tpu.memory_space<hbm>>) target_semaphore(%arg11 : memref<!tpu.dma_semaphore, #tpu.memory_space<semaphore_mem>>)
    %dma_wait3A_67 = arith.constant 1 : i32
    %dma_wait3A_68 = arith.constant 128 : i32
    %dma_wait3A_69 = arith.constant 0 : i32
    %dma_wait3A_70 = tpu.memref_slice %arg9[%dma_wait3A_68, %dma_wait3A_69] : memref<512x128xf32, #tpu.memory_space<vmem>> -> memref<128x128xf32, #tpu.memory_space<vmem>>
    %dma_wait3A_71 = arith.constant 0 : i32
    %dma_wait3A_72 = tpu.memref_slice %arg8[%dma_wait3A_67, %dma_wait3A_71] : memref<4x128xi32, #tpu.memory_space<vmem>> -> memref<1x128xi32, #tpu.memory_space<vmem>>
    %dma_wait3A_73 = tpu.memref_squeeze %dma_wait3A_72 : memref<1x128xi32, #tpu.memory_space<vmem>> -> memref<128xi32, #tpu.memory_space<vmem>>
    %dma_wait3A_74 = arith.constant 0 : i32
    %dma_wait3A_75 = arith.constant 0 : i32
    %dma_wait3A_76 = tpu.memref_slice %arg2[%dma_wait3A_74, %dma_wait3A_75] : memref<100000x128xf32, #tpu.memory_space<hbm>> -> memref<100000x128xf32, #tpu.memory_space<hbm>>
    tpu.wait_indirect_dma semaphore(%arg10 : memref<!tpu.dma_semaphore, #tpu.memory_space<semaphore_mem>>) src(%dma_wait3A_76 : memref<100000x128xf32, #tpu.memory_space<hbm>>) dst(%dma_wait3A_70 : memref<128x128xf32, #tpu.memory_space<vmem>>)
    %add3A_77 = arith.constant 128 : i32
    %add3A_78 = arith.addi %mul3A_2, %add3A_77 : i32
    %dma_start3A_79 = arith.constant 128 : i32
    %dma_start3A_80 = arith.constant 0 : i32
    %dma_start3A_81 = tpu.memref_slice %arg9[%dma_start3A_79, %dma_start3A_80] : memref<512x128xf32, #tpu.memory_space<vmem>> -> memref<128x128xf32, #tpu.memory_space<vmem>>
    %dma_start3A_82 = arith.constant 0 : i32
    %dma_start3A_83 = tpu.memref_slice %arg6[%add3A_78, %dma_start3A_82] : memref<8192x128xf32, #tpu.memory_space<hbm>> -> memref<128x128xf32, #tpu.memory_space<hbm>>
    %dma_start3A_84 = arith.constant 0 : i32
    %dma_start3A_85 = tpu.memref_slice %arg6[%add3A_78, %dma_start3A_84] : memref<8192x128xf32, #tpu.memory_space<hbm>> -> memref<128x128xf32, #tpu.memory_space<hbm>>
    %dma_start3A_86 = arith.constant 128 : i32
    %dma_start3A_87 = arith.constant 0 : i32
    %dma_start3A_88 = tpu.memref_slice %arg9[%dma_start3A_86, %dma_start3A_87] : memref<512x128xf32, #tpu.memory_space<vmem>> -> memref<128x128xf32, #tpu.memory_space<vmem>>
    tpu.enqueue_dma source(%dma_start3A_88 : memref<128x128xf32, #tpu.memory_space<vmem>>) target(%dma_start3A_85 : memref<128x128xf32, #tpu.memory_space<hbm>>) target_semaphore(%arg11 : memref<!tpu.dma_semaphore, #tpu.memory_space<semaphore_mem>>)
    %dma_wait3A_89 = arith.constant 2 : i32
    %dma_wait3A_90 = arith.constant 256 : i32
    %dma_wait3A_91 = arith.constant 0 : i32
    %dma_wait3A_92 = tpu.memref_slice %arg9[%dma_wait3A_90, %dma_wait3A_91] : memref<512x128xf32, #tpu.memory_space<vmem>> -> memref<128x128xf32, #tpu.memory_space<vmem>>
    %dma_wait3A_93 = arith.constant 0 : i32
    %dma_wait3A_94 = tpu.memref_slice %arg8[%dma_wait3A_89, %dma_wait3A_93] : memref<4x128xi32, #tpu.memory_space<vmem>> -> memref<1x128xi32, #tpu.memory_space<vmem>>
    %dma_wait3A_95 = tpu.memref_squeeze %dma_wait3A_94 : memref<1x128xi32, #tpu.memory_space<vmem>> -> memref<128xi32, #tpu.memory_space<vmem>>
    %dma_wait3A_96 = arith.constant 0 : i32
    %dma_wait3A_97 = arith.constant 0 : i32
    %dma_wait3A_98 = tpu.memref_slice %arg3[%dma_wait3A_96, %dma_wait3A_97] : memref<100000x128xf32, #tpu.memory_space<hbm>> -> memref<100000x128xf32, #tpu.memory_space<hbm>>
    tpu.wait_indirect_dma semaphore(%arg10 : memref<!tpu.dma_semaphore, #tpu.memory_space<semaphore_mem>>) src(%dma_wait3A_98 : memref<100000x128xf32, #tpu.memory_space<hbm>>) dst(%dma_wait3A_92 : memref<128x128xf32, #tpu.memory_space<vmem>>)
    %add3A_99 = arith.constant 0 : i32
    %add3A_100 = arith.addi %mul3A_2, %add3A_99 : i32
    %dma_start3A_101 = arith.constant 256 : i32
    %dma_start3A_102 = arith.constant 0 : i32
    %dma_start3A_103 = tpu.memref_slice %arg9[%dma_start3A_101, %dma_start3A_102] : memref<512x128xf32, #tpu.memory_space<vmem>> -> memref<128x128xf32, #tpu.memory_space<vmem>>
    %dma_start3A_104 = arith.constant 0 : i32
    %dma_start3A_105 = tpu.memref_slice %arg7[%add3A_100, %dma_start3A_104] : memref<8192x128xf32, #tpu.memory_space<hbm>> -> memref<128x128xf32, #tpu.memory_space<hbm>>
    %dma_start3A_106 = arith.constant 0 : i32
    %dma_start3A_107 = tpu.memref_slice %arg7[%add3A_100, %dma_start3A_106] : memref<8192x128xf32, #tpu.memory_space<hbm>> -> memref<128x128xf32, #tpu.memory_space<hbm>>
    %dma_start3A_108 = arith.constant 256 : i32
    %dma_start3A_109 = arith.constant 0 : i32
    %dma_start3A_110 = tpu.memref_slice %arg9[%dma_start3A_108, %dma_start3A_109] : memref<512x128xf32, #tpu.memory_space<vmem>> -> memref<128x128xf32, #tpu.memory_space<vmem>>
    tpu.enqueue_dma source(%dma_start3A_110 : memref<128x128xf32, #tpu.memory_space<vmem>>) target(%dma_start3A_107 : memref<128x128xf32, #tpu.memory_space<hbm>>) target_semaphore(%arg11 : memref<!tpu.dma_semaphore, #tpu.memory_space<semaphore_mem>>)
    %dma_wait3A_111 = arith.constant 3 : i32
    %dma_wait3A_112 = arith.constant 384 : i32
    %dma_wait3A_113 = arith.constant 0 : i32
    %dma_wait3A_114 = tpu.memref_slice %arg9[%dma_wait3A_112, %dma_wait3A_113] : memref<512x128xf32, #tpu.memory_space<vmem>> -> memref<128x128xf32, #tpu.memory_space<vmem>>
    %dma_wait3A_115 = arith.constant 0 : i32
    %dma_wait3A_116 = tpu.memref_slice %arg8[%dma_wait3A_111, %dma_wait3A_115] : memref<4x128xi32, #tpu.memory_space<vmem>> -> memref<1x128xi32, #tpu.memory_space<vmem>>
    %dma_wait3A_117 = tpu.memref_squeeze %dma_wait3A_116 : memref<1x128xi32, #tpu.memory_space<vmem>> -> memref<128xi32, #tpu.memory_space<vmem>>
    %dma_wait3A_118 = arith.constant 0 : i32
    %dma_wait3A_119 = arith.constant 0 : i32
    %dma_wait3A_120 = tpu.memref_slice %arg3[%dma_wait3A_118, %dma_wait3A_119] : memref<100000x128xf32, #tpu.memory_space<hbm>> -> memref<100000x128xf32, #tpu.memory_space<hbm>>
    tpu.wait_indirect_dma semaphore(%arg10 : memref<!tpu.dma_semaphore, #tpu.memory_space<semaphore_mem>>) src(%dma_wait3A_120 : memref<100000x128xf32, #tpu.memory_space<hbm>>) dst(%dma_wait3A_114 : memref<128x128xf32, #tpu.memory_space<vmem>>)
    %add3A_121 = arith.constant 128 : i32
    %add3A_122 = arith.addi %mul3A_2, %add3A_121 : i32
    %dma_start3A_123 = arith.constant 384 : i32
    %dma_start3A_124 = arith.constant 0 : i32
    %dma_start3A_125 = tpu.memref_slice %arg9[%dma_start3A_123, %dma_start3A_124] : memref<512x128xf32, #tpu.memory_space<vmem>> -> memref<128x128xf32, #tpu.memory_space<vmem>>
    %dma_start3A_126 = arith.constant 0 : i32
    %dma_start3A_127 = tpu.memref_slice %arg7[%add3A_122, %dma_start3A_126] : memref<8192x128xf32, #tpu.memory_space<hbm>> -> memref<128x128xf32, #tpu.memory_space<hbm>>
    %dma_start3A_128 = arith.constant 0 : i32
    %dma_start3A_129 = tpu.memref_slice %arg7[%add3A_122, %dma_start3A_128] : memref<8192x128xf32, #tpu.memory_space<hbm>> -> memref<128x128xf32, #tpu.memory_space<hbm>>
    %dma_start3A_130 = arith.constant 384 : i32
    %dma_start3A_131 = arith.constant 0 : i32
    %dma_start3A_132 = tpu.memref_slice %arg9[%dma_start3A_130, %dma_start3A_131] : memref<512x128xf32, #tpu.memory_space<vmem>> -> memref<128x128xf32, #tpu.memory_space<vmem>>
    tpu.enqueue_dma source(%dma_start3A_132 : memref<128x128xf32, #tpu.memory_space<vmem>>) target(%dma_start3A_129 : memref<128x128xf32, #tpu.memory_space<hbm>>) target_semaphore(%arg11 : memref<!tpu.dma_semaphore, #tpu.memory_space<semaphore_mem>>)
    %dma_wait3A_133 = arith.constant 0 : i32
    %dma_wait3A_134 = arith.constant 0 : i32
    %dma_wait3A_135 = tpu.memref_slice %arg9[%dma_wait3A_133, %dma_wait3A_134] : memref<512x128xf32, #tpu.memory_space<vmem>> -> memref<128x128xf32, #tpu.memory_space<vmem>>
    %dma_wait3A_136 = arith.constant 0 : i32
    %dma_wait3A_137 = tpu.memref_slice %arg6[%add3A_56, %dma_wait3A_136] : memref<8192x128xf32, #tpu.memory_space<hbm>> -> memref<128x128xf32, #tpu.memory_space<hbm>>
    %dma_wait3A_138 = arith.constant 0 : i32
    %dma_wait3A_139 = tpu.memref_slice %arg6[%add3A_56, %dma_wait3A_138] : memref<8192x128xf32, #tpu.memory_space<hbm>> -> memref<128x128xf32, #tpu.memory_space<hbm>>
    %dma_wait3A_140 = arith.constant 0 : i32
    %dma_wait3A_141 = arith.constant 0 : i32
    %dma_wait3A_142 = tpu.memref_slice %arg9[%dma_wait3A_140, %dma_wait3A_141] : memref<512x128xf32, #tpu.memory_space<vmem>> -> memref<128x128xf32, #tpu.memory_space<vmem>>
    tpu.wait_dma2 semaphore(%arg11 : memref<!tpu.dma_semaphore, #tpu.memory_space<semaphore_mem>>) src(%dma_wait3A_142 : memref<128x128xf32, #tpu.memory_space<vmem>>) dst(%dma_wait3A_139 : memref<128x128xf32, #tpu.memory_space<hbm>>)
    %dma_wait3A_143 = arith.constant 128 : i32
    %dma_wait3A_144 = arith.constant 0 : i32
    %dma_wait3A_145 = tpu.memref_slice %arg9[%dma_wait3A_143, %dma_wait3A_144] : memref<512x128xf32, #tpu.memory_space<vmem>> -> memref<128x128xf32, #tpu.memory_space<vmem>>
    %dma_wait3A_146 = arith.constant 0 : i32
    %dma_wait3A_147 = tpu.memref_slice %arg6[%add3A_78, %dma_wait3A_146] : memref<8192x128xf32, #tpu.memory_space<hbm>> -> memref<128x128xf32, #tpu.memory_space<hbm>>
    %dma_wait3A_148 = arith.constant 0 : i32
    %dma_wait3A_149 = tpu.memref_slice %arg6[%add3A_78, %dma_wait3A_148] : memref<8192x128xf32, #tpu.memory_space<hbm>> -> memref<128x128xf32, #tpu.memory_space<hbm>>
    %dma_wait3A_150 = arith.constant 128 : i32
    %dma_wait3A_151 = arith.constant 0 : i32
    %dma_wait3A_152 = tpu.memref_slice %arg9[%dma_wait3A_150, %dma_wait3A_151] : memref<512x128xf32, #tpu.memory_space<vmem>> -> memref<128x128xf32, #tpu.memory_space<vmem>>
    tpu.wait_dma2 semaphore(%arg11 : memref<!tpu.dma_semaphore, #tpu.memory_space<semaphore_mem>>) src(%dma_wait3A_152 : memref<128x128xf32, #tpu.memory_space<vmem>>) dst(%dma_wait3A_149 : memref<128x128xf32, #tpu.memory_space<hbm>>)
    %dma_wait3A_153 = arith.constant 256 : i32
    %dma_wait3A_154 = arith.constant 0 : i32
    %dma_wait3A_155 = tpu.memref_slice %arg9[%dma_wait3A_153, %dma_wait3A_154] : memref<512x128xf32, #tpu.memory_space<vmem>> -> memref<128x128xf32, #tpu.memory_space<vmem>>
    %dma_wait3A_156 = arith.constant 0 : i32
    %dma_wait3A_157 = tpu.memref_slice %arg7[%add3A_100, %dma_wait3A_156] : memref<8192x128xf32, #tpu.memory_space<hbm>> -> memref<128x128xf32, #tpu.memory_space<hbm>>
    %dma_wait3A_158 = arith.constant 0 : i32
    %dma_wait3A_159 = tpu.memref_slice %arg7[%add3A_100, %dma_wait3A_158] : memref<8192x128xf32, #tpu.memory_space<hbm>> -> memref<128x128xf32, #tpu.memory_space<hbm>>
    %dma_wait3A_160 = arith.constant 256 : i32
    %dma_wait3A_161 = arith.constant 0 : i32
    %dma_wait3A_162 = tpu.memref_slice %arg9[%dma_wait3A_160, %dma_wait3A_161] : memref<512x128xf32, #tpu.memory_space<vmem>> -> memref<128x128xf32, #tpu.memory_space<vmem>>
    tpu.wait_dma2 semaphore(%arg11 : memref<!tpu.dma_semaphore, #tpu.memory_space<semaphore_mem>>) src(%dma_wait3A_162 : memref<128x128xf32, #tpu.memory_space<vmem>>) dst(%dma_wait3A_159 : memref<128x128xf32, #tpu.memory_space<hbm>>)
    %dma_wait3A_163 = arith.constant 384 : i32
    %dma_wait3A_164 = arith.constant 0 : i32
    %dma_wait3A_165 = tpu.memref_slice %arg9[%dma_wait3A_163, %dma_wait3A_164] : memref<512x128xf32, #tpu.memory_space<vmem>> -> memref<128x128xf32, #tpu.memory_space<vmem>>
    %dma_wait3A_166 = arith.constant 0 : i32
    %dma_wait3A_167 = tpu.memref_slice %arg7[%add3A_122, %dma_wait3A_166] : memref<8192x128xf32, #tpu.memory_space<hbm>> -> memref<128x128xf32, #tpu.memory_space<hbm>>
    %dma_wait3A_168 = arith.constant 0 : i32
    %dma_wait3A_169 = tpu.memref_slice %arg7[%add3A_122, %dma_wait3A_168] : memref<8192x128xf32, #tpu.memory_space<hbm>> -> memref<128x128xf32, #tpu.memory_space<hbm>>
    %dma_wait3A_170 = arith.constant 384 : i32
    %dma_wait3A_171 = arith.constant 0 : i32
    %dma_wait3A_172 = tpu.memref_slice %arg9[%dma_wait3A_170, %dma_wait3A_171] : memref<512x128xf32, #tpu.memory_space<vmem>> -> memref<128x128xf32, #tpu.memory_space<vmem>>
    tpu.wait_dma2 semaphore(%arg11 : memref<!tpu.dma_semaphore, #tpu.memory_space<semaphore_mem>>) src(%dma_wait3A_172 : memref<128x128xf32, #tpu.memory_space<vmem>>) dst(%dma_wait3A_169 : memref<128x128xf32, #tpu.memory_space<hbm>>)
    return
  }
}

module attributes {stable_mosaic.version = 14 : i64} {
  func.func @_mlp_body(%arg0: i32, %arg1: memref<4096x128xf32, #tpu.memory_space<vmem>>, %arg2: memref<4096x128xf32, #tpu.memory_space<vmem>>, %arg3: memref<64x256xf32, #tpu.memory_space<vmem>>, %arg4: memref<1x64xf32, #tpu.memory_space<vmem>>, %arg5: memref<1x64xf32, #tpu.memory_space<vmem>>, %arg6: memref<1x64xf32, #tpu.memory_space<vmem>>, %arg7: memref<32x64xf32, #tpu.memory_space<vmem>>, %arg8: memref<1x32xf32, #tpu.memory_space<vmem>>, %arg9: memref<1x32xf32, #tpu.memory_space<vmem>>, %arg10: memref<1x32xf32, #tpu.memory_space<vmem>>, %arg11: memref<16x32xf32, #tpu.memory_space<vmem>>, %arg12: memref<1x16xf32, #tpu.memory_space<vmem>>, %arg13: memref<8x16xf32, #tpu.memory_space<vmem>>, %arg14: memref<1x8xf32, #tpu.memory_space<vmem>>, %arg15: memref<8x1xf32, #tpu.memory_space<vmem>>, %arg16: memref<1x1xf32, #tpu.memory_space<vmem>>, %arg17: memref<1x1xf32, #tpu.memory_space<vmem>>, %arg18: memref<32x128xf32, #tpu.memory_space<vmem>>) attributes {dimension_semantics = [#tpu.dimension_semantics<parallel>], iteration_bounds = array<i64: 2>, scalar_prefetch = 0 : i64, scratch_operands = 0 : i64, tpu.core_type = #tpu.core_type<tc>, window_params = [{transform_indices = @transform_0, window_bounds = array<i64: 4096, 128>}, {transform_indices = @transform_1, window_bounds = array<i64: 4096, 128>}, {pipeline_mode = #tpu.pipeline_mode<synchronous>, transform_indices = @transform_2, window_bounds = array<i64: 64, 256>}, {pipeline_mode = #tpu.pipeline_mode<synchronous>, transform_indices = @transform_3, window_bounds = array<i64: 1, 64>}, {pipeline_mode = #tpu.pipeline_mode<synchronous>, transform_indices = @transform_4, window_bounds = array<i64: 1, 64>}, {pipeline_mode = #tpu.pipeline_mode<synchronous>, transform_indices = @transform_5, window_bounds = array<i64: 1, 64>}, {pipeline_mode = #tpu.pipeline_mode<synchronous>, transform_indices = @transform_6, window_bounds = array<i64: 32, 64>}, {pipeline_mode = #tpu.pipeline_mode<synchronous>, transform_indices = @transform_7, window_bounds = array<i64: 1, 32>}, {pipeline_mode = #tpu.pipeline_mode<synchronous>, transform_indices = @transform_8, window_bounds = array<i64: 1, 32>}, {pipeline_mode = #tpu.pipeline_mode<synchronous>, transform_indices = @transform_9, window_bounds = array<i64: 1, 32>}, {pipeline_mode = #tpu.pipeline_mode<synchronous>, transform_indices = @transform_10, window_bounds = array<i64: 16, 32>}, {pipeline_mode = #tpu.pipeline_mode<synchronous>, transform_indices = @transform_11, window_bounds = array<i64: 1, 16>}, {pipeline_mode = #tpu.pipeline_mode<synchronous>, transform_indices = @transform_12, window_bounds = array<i64: 8, 16>}, {pipeline_mode = #tpu.pipeline_mode<synchronous>, transform_indices = @transform_13, window_bounds = array<i64: 1, 8>}, {pipeline_mode = #tpu.pipeline_mode<synchronous>, transform_indices = @transform_14, window_bounds = array<i64: 8, 1>}, {pipeline_mode = #tpu.pipeline_mode<synchronous>, transform_indices = @transform_15, window_bounds = array<i64: 1, 1>}, {pipeline_mode = #tpu.pipeline_mode<synchronous>, transform_indices = @transform_16, window_bounds = array<i64: 1, 1>}, {transform_indices = @transform_17, window_bounds = array<i64: 32, 128>}]} {
    %get3A = arith.constant 0 : index
    %get3A_0 = arith.constant 0 : index
    %get3A_1 = vector.load %arg1[%get3A, %get3A_0] : memref<4096x128xf32, #tpu.memory_space<vmem>>, vector<4096x128xf32>
    %convert_element_type3A = arith.truncf %get3A_1 : vector<4096x128xf32> to vector<4096x128xbf16>
    %get3A_2 = arith.constant 0 : index
    %get3A_3 = arith.constant 0 : index
    %get3A_4 = vector.load %arg2[%get3A_2, %get3A_3] : memref<4096x128xf32, #tpu.memory_space<vmem>>, vector<4096x128xf32>
    %convert_element_type3A_5 = arith.truncf %get3A_4 : vector<4096x128xf32> to vector<4096x128xbf16>
    %get3A_6 = arith.constant 0 : index
    %get3A_7 = arith.constant 0 : index
    %get3A_8 = vector.load %arg3[%get3A_6, %get3A_7] : memref<64x256xf32, #tpu.memory_space<vmem>>, vector<64x128xf32>
    %convert_element_type3A_9 = arith.truncf %get3A_8 : vector<64x128xf32> to vector<64x128xbf16>
    %get3A_10 = arith.constant 0 : index
    %get3A_11 = arith.constant 128 : index
    %get3A_12 = vector.load %arg3[%get3A_10, %get3A_11] : memref<64x256xf32, #tpu.memory_space<vmem>>, vector<64x128xf32>
    %convert_element_type3A_13 = arith.truncf %get3A_12 : vector<64x128xf32> to vector<64x128xbf16>
    %broadcast_in_dim3A = arith.constant 1.000000e+00 : bf16
    %broadcast_in_dim3A_14 = vector.broadcast %broadcast_in_dim3A : bf16 to vector<128x1xbf16>
    %mul3A = arith.mulf %convert_element_type3A, %convert_element_type3A_5 : vector<4096x128xbf16>
    %dot_general3A = arith.constant dense<0.000000e+00> : vector<4096x1xf32>
    %dot_general3A_15 = tpu.matmul %mul3A, %broadcast_in_dim3A_14, %dot_general3A {dimension_numbers = #tpu.dot_dimension_numbers<[1], [0], [0], [1], [0, 0, 1, 1], [], []>, transpose_lhs_hint = false} : vector<4096x128xbf16>, vector<128x1xbf16>, vector<4096x1xf32> -> vector<4096x1xf32>
    %dot_general3A_16 = arith.constant dense<0.000000e+00> : vector<4096x64xf32>
    %dot_general3A_17 = tpu.matmul %convert_element_type3A, %convert_element_type3A_9, %dot_general3A_16 {dimension_numbers = #tpu.dot_dimension_numbers<[1], [1], [0], [0], [0, 0, 1, 0], [], []>, transpose_lhs_hint = false} : vector<4096x128xbf16>, vector<64x128xbf16>, vector<4096x64xf32> -> vector<4096x64xf32>
    %dot_general3A_18 = arith.constant dense<0.000000e+00> : vector<4096x64xf32>
    %dot_general3A_19 = tpu.matmul %convert_element_type3A_5, %convert_element_type3A_13, %dot_general3A_18 {dimension_numbers = #tpu.dot_dimension_numbers<[1], [1], [0], [0], [0, 0, 1, 0], [], []>, transpose_lhs_hint = false} : vector<4096x128xbf16>, vector<64x128xbf16>, vector<4096x64xf32> -> vector<4096x64xf32>
    %add3A = arith.addf %dot_general3A_17, %dot_general3A_19 : vector<4096x64xf32>
    %get3A_20 = arith.constant 0 : index
    %get3A_21 = arith.constant 0 : index
    %get3A_22 = vector.load %arg4[%get3A_20, %get3A_21] : memref<1x64xf32, #tpu.memory_space<vmem>>, vector<1x64xf32>
    %add3A_23 = vector.broadcast %get3A_22 : vector<1x64xf32> to vector<4096x64xf32>
    %add3A_24 = arith.addf %add3A, %add3A_23 : vector<4096x64xf32>
    %max3A = arith.constant 0.000000e+00 : f32
    %max3A_25 = vector.broadcast %max3A : f32 to vector<4096x64xf32>
    %max3A_26 = arith.maximumf %add3A_24, %max3A_25 : vector<4096x64xf32>
    %get3A_27 = arith.constant 0 : index
    %get3A_28 = arith.constant 0 : index
    %get3A_29 = vector.load %arg5[%get3A_27, %get3A_28] : memref<1x64xf32, #tpu.memory_space<vmem>>, vector<1x64xf32>
    %get3A_30 = arith.constant 0 : index
    %get3A_31 = arith.constant 0 : index
    %get3A_32 = vector.load %arg6[%get3A_30, %get3A_31] : memref<1x64xf32, #tpu.memory_space<vmem>>, vector<1x64xf32>
    %broadcast_in_dim3A_33 = arith.constant 1.562500e-02 : f32
    %broadcast_in_dim3A_34 = vector.broadcast %broadcast_in_dim3A_33 : f32 to vector<64x64xf32>
    %dot_general3A_35 = arith.constant dense<0.000000e+00> : vector<4096x64xf32>
    %dot_general3A_36 = tpu.matmul %max3A_26, %broadcast_in_dim3A_34, %dot_general3A_35 {dimension_numbers = #tpu.dot_dimension_numbers<[1], [0], [0], [1], [0, 0, 1, 1], [], []>, transpose_lhs_hint = false} : vector<4096x64xf32>, vector<64x64xf32>, vector<4096x64xf32> -> vector<4096x64xf32>
    %sub3A = arith.subf %max3A_26, %dot_general3A_36 : vector<4096x64xf32>
    %mul3A_37 = arith.mulf %sub3A, %sub3A : vector<4096x64xf32>
    %dot_general3A_38 = arith.constant dense<0.000000e+00> : vector<4096x64xf32>
    %dot_general3A_39 = tpu.matmul %mul3A_37, %broadcast_in_dim3A_34, %dot_general3A_38 {dimension_numbers = #tpu.dot_dimension_numbers<[1], [0], [0], [1], [0, 0, 1, 1], [], []>, transpose_lhs_hint = false} : vector<4096x64xf32>, vector<64x64xf32>, vector<4096x64xf32> -> vector<4096x64xf32>
    %add3A_40 = arith.constant 9.99999974E-6 : f32
    %add3A_41 = vector.broadcast %add3A_40 : f32 to vector<4096x64xf32>
    %add3A_42 = arith.addf %dot_general3A_39, %add3A_41 : vector<4096x64xf32>
    %rsqrt3A = math.rsqrt %add3A_42 : vector<4096x64xf32>
    %mul3A_43 = arith.mulf %sub3A, %rsqrt3A : vector<4096x64xf32>
    %mul3A_44 = vector.broadcast %get3A_29 : vector<1x64xf32> to vector<4096x64xf32>
    %mul3A_45 = arith.mulf %mul3A_43, %mul3A_44 : vector<4096x64xf32>
    %add3A_46 = vector.broadcast %get3A_32 : vector<1x64xf32> to vector<4096x64xf32>
    %add3A_47 = arith.addf %mul3A_45, %add3A_46 : vector<4096x64xf32>
    %get3A_48 = arith.constant 0 : index
    %get3A_49 = arith.constant 0 : index
    %get3A_50 = vector.load %arg7[%get3A_48, %get3A_49] : memref<32x64xf32, #tpu.memory_space<vmem>>, vector<32x64xf32>
    %dot_general3A_51 = arith.constant dense<0.000000e+00> : vector<4096x32xf32>
    %dot_general3A_52 = tpu.matmul %add3A_47, %get3A_50, %dot_general3A_51 {dimension_numbers = #tpu.dot_dimension_numbers<[1], [1], [0], [0], [0, 0, 1, 0], [], []>, transpose_lhs_hint = false} : vector<4096x64xf32>, vector<32x64xf32>, vector<4096x32xf32> -> vector<4096x32xf32>
    %get3A_53 = arith.constant 0 : index
    %get3A_54 = arith.constant 0 : index
    %get3A_55 = vector.load %arg8[%get3A_53, %get3A_54] : memref<1x32xf32, #tpu.memory_space<vmem>>, vector<1x32xf32>
    %add3A_56 = vector.broadcast %get3A_55 : vector<1x32xf32> to vector<4096x32xf32>
    %add3A_57 = arith.addf %dot_general3A_52, %add3A_56 : vector<4096x32xf32>
    %max3A_58 = arith.constant 0.000000e+00 : f32
    %max3A_59 = vector.broadcast %max3A_58 : f32 to vector<4096x32xf32>
    %max3A_60 = arith.maximumf %add3A_57, %max3A_59 : vector<4096x32xf32>
    %get3A_61 = arith.constant 0 : index
    %get3A_62 = arith.constant 0 : index
    %get3A_63 = vector.load %arg9[%get3A_61, %get3A_62] : memref<1x32xf32, #tpu.memory_space<vmem>>, vector<1x32xf32>
    %get3A_64 = arith.constant 0 : index
    %get3A_65 = arith.constant 0 : index
    %get3A_66 = vector.load %arg10[%get3A_64, %get3A_65] : memref<1x32xf32, #tpu.memory_space<vmem>>, vector<1x32xf32>
    %broadcast_in_dim3A_67 = arith.constant 3.125000e-02 : f32
    %broadcast_in_dim3A_68 = vector.broadcast %broadcast_in_dim3A_67 : f32 to vector<32x32xf32>
    %dot_general3A_69 = arith.constant dense<0.000000e+00> : vector<4096x32xf32>
    %dot_general3A_70 = tpu.matmul %max3A_60, %broadcast_in_dim3A_68, %dot_general3A_69 {dimension_numbers = #tpu.dot_dimension_numbers<[1], [0], [0], [1], [0, 0, 1, 1], [], []>, transpose_lhs_hint = false} : vector<4096x32xf32>, vector<32x32xf32>, vector<4096x32xf32> -> vector<4096x32xf32>
    %sub3A_71 = arith.subf %max3A_60, %dot_general3A_70 : vector<4096x32xf32>
    %mul3A_72 = arith.mulf %sub3A_71, %sub3A_71 : vector<4096x32xf32>
    %dot_general3A_73 = arith.constant dense<0.000000e+00> : vector<4096x32xf32>
    %dot_general3A_74 = tpu.matmul %mul3A_72, %broadcast_in_dim3A_68, %dot_general3A_73 {dimension_numbers = #tpu.dot_dimension_numbers<[1], [0], [0], [1], [0, 0, 1, 1], [], []>, transpose_lhs_hint = false} : vector<4096x32xf32>, vector<32x32xf32>, vector<4096x32xf32> -> vector<4096x32xf32>
    %add3A_75 = arith.constant 9.99999974E-6 : f32
    %add3A_76 = vector.broadcast %add3A_75 : f32 to vector<4096x32xf32>
    %add3A_77 = arith.addf %dot_general3A_74, %add3A_76 : vector<4096x32xf32>
    %rsqrt3A_78 = math.rsqrt %add3A_77 : vector<4096x32xf32>
    %mul3A_79 = arith.mulf %sub3A_71, %rsqrt3A_78 : vector<4096x32xf32>
    %mul3A_80 = vector.broadcast %get3A_63 : vector<1x32xf32> to vector<4096x32xf32>
    %mul3A_81 = arith.mulf %mul3A_79, %mul3A_80 : vector<4096x32xf32>
    %add3A_82 = vector.broadcast %get3A_66 : vector<1x32xf32> to vector<4096x32xf32>
    %add3A_83 = arith.addf %mul3A_81, %add3A_82 : vector<4096x32xf32>
    %get3A_84 = arith.constant 0 : index
    %get3A_85 = arith.constant 0 : index
    %get3A_86 = vector.load %arg11[%get3A_84, %get3A_85] : memref<16x32xf32, #tpu.memory_space<vmem>>, vector<16x32xf32>
    %dot_general3A_87 = arith.constant dense<0.000000e+00> : vector<4096x16xf32>
    %dot_general3A_88 = tpu.matmul %add3A_83, %get3A_86, %dot_general3A_87 {dimension_numbers = #tpu.dot_dimension_numbers<[1], [1], [0], [0], [0, 0, 1, 0], [], []>, transpose_lhs_hint = false} : vector<4096x32xf32>, vector<16x32xf32>, vector<4096x16xf32> -> vector<4096x16xf32>
    %get3A_89 = arith.constant 0 : index
    %get3A_90 = arith.constant 0 : index
    %get3A_91 = vector.load %arg12[%get3A_89, %get3A_90] : memref<1x16xf32, #tpu.memory_space<vmem>>, vector<1x16xf32>
    %add3A_92 = vector.broadcast %get3A_91 : vector<1x16xf32> to vector<4096x16xf32>
    %add3A_93 = arith.addf %dot_general3A_88, %add3A_92 : vector<4096x16xf32>
    %max3A_94 = arith.constant 0.000000e+00 : f32
    %max3A_95 = vector.broadcast %max3A_94 : f32 to vector<4096x16xf32>
    %max3A_96 = arith.maximumf %add3A_93, %max3A_95 : vector<4096x16xf32>
    %get3A_97 = arith.constant 0 : index
    %get3A_98 = arith.constant 0 : index
    %get3A_99 = vector.load %arg13[%get3A_97, %get3A_98] : memref<8x16xf32, #tpu.memory_space<vmem>>, vector<8x16xf32>
    %dot_general3A_100 = arith.constant dense<0.000000e+00> : vector<4096x8xf32>
    %dot_general3A_101 = tpu.matmul %max3A_96, %get3A_99, %dot_general3A_100 {dimension_numbers = #tpu.dot_dimension_numbers<[1], [1], [0], [0], [0, 0, 1, 0], [], []>, transpose_lhs_hint = false} : vector<4096x16xf32>, vector<8x16xf32>, vector<4096x8xf32> -> vector<4096x8xf32>
    %get3A_102 = arith.constant 0 : index
    %get3A_103 = arith.constant 0 : index
    %get3A_104 = vector.load %arg14[%get3A_102, %get3A_103] : memref<1x8xf32, #tpu.memory_space<vmem>>, vector<1x8xf32>
    %add3A_105 = vector.broadcast %get3A_104 : vector<1x8xf32> to vector<4096x8xf32>
    %add3A_106 = arith.addf %dot_general3A_101, %add3A_105 : vector<4096x8xf32>
    %max3A_107 = arith.constant 0.000000e+00 : f32
    %max3A_108 = vector.broadcast %max3A_107 : f32 to vector<4096x8xf32>
    %max3A_109 = arith.maximumf %add3A_106, %max3A_108 : vector<4096x8xf32>
    %get3A_110 = arith.constant 0 : index
    %get3A_111 = arith.constant 0 : index
    %get3A_112 = vector.load %arg15[%get3A_110, %get3A_111] : memref<8x1xf32, #tpu.memory_space<vmem>>, vector<8x1xf32>
    %dot_general3A_113 = arith.constant dense<0.000000e+00> : vector<4096x1xf32>
    %dot_general3A_114 = tpu.matmul %max3A_109, %get3A_112, %dot_general3A_113 {dimension_numbers = #tpu.dot_dimension_numbers<[1], [0], [0], [1], [0, 0, 1, 1], [], []>, transpose_lhs_hint = false} : vector<4096x8xf32>, vector<8x1xf32>, vector<4096x1xf32> -> vector<4096x1xf32>
    %get3A_115 = arith.constant 0 : index
    %get3A_116 = arith.constant 0 : index
    %get3A_117 = vector.load %arg16[%get3A_115, %get3A_116] : memref<1x1xf32, #tpu.memory_space<vmem>>, vector<1x1xf32>
    %add3A_118 = vector.broadcast %get3A_117 : vector<1x1xf32> to vector<4096x1xf32>
    %add3A_119 = arith.addf %dot_general3A_114, %add3A_118 : vector<4096x1xf32>
    %add3A_120 = arith.addf %dot_general3A_15, %add3A_119 : vector<4096x1xf32>
    %get3A_121 = arith.constant 0 : index
    %get3A_122 = arith.constant 0 : index
    %get3A_123 = vector.load %arg17[%get3A_121, %get3A_122] : memref<1x1xf32, #tpu.memory_space<vmem>>, vector<1x1xf32>
    %add3A_124 = vector.broadcast %get3A_123 : vector<1x1xf32> to vector<4096x1xf32>
    %add3A_125 = arith.addf %add3A_120, %add3A_124 : vector<4096x1xf32>
    %reshape3A = vector.shape_cast %add3A_125 : vector<4096x1xf32> to vector<32x128xf32>
    %logistic3A = arith.negf %reshape3A : vector<32x128xf32>
    %logistic3A_126 = math.exp %logistic3A : vector<32x128xf32>
    %logistic3A_127 = arith.constant 1.000000e+00 : f32
    %logistic3A_128 = vector.broadcast %logistic3A_127 : f32 to vector<32x128xf32>
    %logistic3A_129 = arith.addf %logistic3A_128, %logistic3A_126 : vector<32x128xf32>
    %logistic3A_130 = arith.divf %logistic3A_128, %logistic3A_129 : vector<32x128xf32>
    %swap3A = arith.constant 0 : index
    %swap3A_131 = arith.constant 0 : index
    %swap3A_132 = vector.load %arg18[%swap3A, %swap3A_131] : memref<32x128xf32, #tpu.memory_space<vmem>>, vector<32x128xf32>
    tpu.vector_store %arg18[%swap3A, %swap3A_131], %logistic3A_130 {strides = array<i32>} : memref<32x128xf32, #tpu.memory_space<vmem>>, vector<32x128xf32>,
    return
  }
  func.func @transform_0(%arg0: i32) -> (i32, i32) {
    %c0_i32 = arith.constant 0 : i32
    %c0_i32_0 = arith.constant 0 : i32
    return %arg0, %c0_i32 : i32, i32
  }
  func.func @transform_1(%arg0: i32) -> (i32, i32) {
    %c0_i32 = arith.constant 0 : i32
    %c0_i32_0 = arith.constant 0 : i32
    return %arg0, %c0_i32 : i32, i32
  }
  func.func @transform_2(%arg0: i32) -> (i32, i32) {
    %c0_i32 = arith.constant 0 : i32
    %c0_i32_0 = arith.constant 0 : i32
    %c0_i32_1 = arith.constant 0 : i32
    return %c0_i32, %c0_i32_0 : i32, i32
  }
  func.func @transform_3(%arg0: i32) -> (i32, i32) {
    %c0_i32 = arith.constant 0 : i32
    %c0_i32_0 = arith.constant 0 : i32
    %c0_i32_1 = arith.constant 0 : i32
    return %c0_i32, %c0_i32_0 : i32, i32
  }
  func.func @transform_4(%arg0: i32) -> (i32, i32) {
    %c0_i32 = arith.constant 0 : i32
    %c0_i32_0 = arith.constant 0 : i32
    %c0_i32_1 = arith.constant 0 : i32
    return %c0_i32, %c0_i32_0 : i32, i32
  }
  func.func @transform_5(%arg0: i32) -> (i32, i32) {
    %c0_i32 = arith.constant 0 : i32
    %c0_i32_0 = arith.constant 0 : i32
    %c0_i32_1 = arith.constant 0 : i32
    return %c0_i32, %c0_i32_0 : i32, i32
  }
  func.func @transform_6(%arg0: i32) -> (i32, i32) {
    %c0_i32 = arith.constant 0 : i32
    %c0_i32_0 = arith.constant 0 : i32
    %c0_i32_1 = arith.constant 0 : i32
    return %c0_i32, %c0_i32_0 : i32, i32
  }
  func.func @transform_7(%arg0: i32) -> (i32, i32) {
    %c0_i32 = arith.constant 0 : i32
    %c0_i32_0 = arith.constant 0 : i32
    %c0_i32_1 = arith.constant 0 : i32
    return %c0_i32, %c0_i32_0 : i32, i32
  }
  func.func @transform_8(%arg0: i32) -> (i32, i32) {
    %c0_i32 = arith.constant 0 : i32
    %c0_i32_0 = arith.constant 0 : i32
    %c0_i32_1 = arith.constant 0 : i32
    return %c0_i32, %c0_i32_0 : i32, i32
  }
  func.func @transform_9(%arg0: i32) -> (i32, i32) {
    %c0_i32 = arith.constant 0 : i32
    %c0_i32_0 = arith.constant 0 : i32
    %c0_i32_1 = arith.constant 0 : i32
    return %c0_i32, %c0_i32_0 : i32, i32
  }
  func.func @transform_10(%arg0: i32) -> (i32, i32) {
    %c0_i32 = arith.constant 0 : i32
    %c0_i32_0 = arith.constant 0 : i32
    %c0_i32_1 = arith.constant 0 : i32
    return %c0_i32, %c0_i32_0 : i32, i32
  }
  func.func @transform_11(%arg0: i32) -> (i32, i32) {
    %c0_i32 = arith.constant 0 : i32
    %c0_i32_0 = arith.constant 0 : i32
    %c0_i32_1 = arith.constant 0 : i32
    return %c0_i32, %c0_i32_0 : i32, i32
  }
  func.func @transform_12(%arg0: i32) -> (i32, i32) {
    %c0_i32 = arith.constant 0 : i32
    %c0_i32_0 = arith.constant 0 : i32
    %c0_i32_1 = arith.constant 0 : i32
    return %c0_i32, %c0_i32_0 : i32, i32
  }
  func.func @transform_13(%arg0: i32) -> (i32, i32) {
    %c0_i32 = arith.constant 0 : i32
    %c0_i32_0 = arith.constant 0 : i32
    %c0_i32_1 = arith.constant 0 : i32
    return %c0_i32, %c0_i32_0 : i32, i32
  }
  func.func @transform_14(%arg0: i32) -> (i32, i32) {
    %c0_i32 = arith.constant 0 : i32
    %c0_i32_0 = arith.constant 0 : i32
    %c0_i32_1 = arith.constant 0 : i32
    return %c0_i32, %c0_i32_0 : i32, i32
  }
  func.func @transform_15(%arg0: i32) -> (i32, i32) {
    %c0_i32 = arith.constant 0 : i32
    %c0_i32_0 = arith.constant 0 : i32
    %c0_i32_1 = arith.constant 0 : i32
    return %c0_i32, %c0_i32_0 : i32, i32
  }
  func.func @transform_16(%arg0: i32) -> (i32, i32) {
    %c0_i32 = arith.constant 0 : i32
    %c0_i32_0 = arith.constant 0 : i32
    %c0_i32_1 = arith.constant 0 : i32
    return %c0_i32, %c0_i32_0 : i32, i32
  }
  func.func @transform_17(%arg0: i32) -> (i32, i32) {
    %c0_i32 = arith.constant 0 : i32
    %c0_i32_0 = arith.constant 0 : i32
    return %arg0, %c0_i32 : i32, i32
  }
}

</mosaic_0001>

<sc_bundles>
// kernel: kernel.6.cloned.1.call-start
scs
__scs_entry_jumppad:
0x0: {  	(pc) =	sbr.rel $0x88, $3  }
0x1: {  	(tag) =	ssettag $0x0;
	lr =	simm.s32 $0x1  }
0x2: {  	[smem:$0x3F8F] =	sst lr;
	_ =	strace $0xD0000000  }
0x3: {  	_ = 	snop  }
0x4: {  	_ = 	snop  }
0x5: {  	_ = 	snop  }
0x6: {  	_ = 	snop  }
0x7: {  	_ = 	snop  }
__scs_overlays_trampoline_lowered:
0x8: {  	[smem:$0x3F9E] =	sst s0  }
0x9: {  	[smem:$0x3F9F] =	sst s1  }
0xa: {  	[smem:$0x3FA0] =	sst s2  }
0xb: {  	[smem:$0x3FA1] =	sst s3  }
0xc: {  	[smem:$0x3FA2] =	sst s4  }
0xd: {  	[smem:$0x3FA3] =	sst s5  }
0xe: {  	[smem:$0x3FA4] =	sst s6  }
0xf: {  	[smem:$0x3FA5] =	sst s7  }
0x10: {  	[smem:$0x3FA6] =	sst s8  }
0x11: {  	[smem:$0x3FA7] =	sst s9;
	s0 =	simm.s32 @!p0 $0x0  }
0x12: {  	s1 =	sld [smem:$0x3F8D];
	s0 =	simm.s32 @p0 $0x1  }
0x13: {  	[smem:$0x3FA8] =	sst s0;
	s0 =	simm.s32 @!p1 $0x0  }
0x14: {  	s2 =	sld [smem:$0x3F8C];
	s0 =	simm.s32 @p1 $0x1  }
0x15: {  	[smem:$0x3FA9] =	sst s0;
	s0 =	simm.s32 @!p2 $0x0  }
0x16: {  	s3 =	sld [smem:$0x3FDB];
	s0 =	simm.s32 @p2 $0x1  }
0x17: {  	s4 =	simm.s32 $0x1BF5;
	[smem:$0x3FAB] =	sst s0  }
0x18: {  	s0 =	sld [smem:$0x3F8E];
	_ =	swait.ge [sflag:s4], $0x0  }
0x19: {  	s7 =	sld [smem:$0x3F8F]  }
0x1a: {  	s8 =	sadd.s32 $0xFFFFE003, lr  }
0x1b: {  	s9 =	sadd.s32 $0xFFFFFEF7, lr;
	s5 =	simm.s32 $0xFFFFFFFF;
	p2 =	slt.u32 s8, $0xFFFFF086  }
0x1c: {  	p1 =	slt.u32 s9, $0xF7A;
	s5 =	simm.s32 @!p2 $0x0  }
0x1d: {  	s5 =	simm.s32 @p1 $0x1;
	p0 =	seq.s32 s7, s2  }
0x1e: {  	s7 =	smul.u32 @!p0 $0xF7A, s2;
	p2 =	seq.s32 @!p0 s5, $0x0  }
0x1f: {  	s9 =	smul.u32 $0xF7A, s1;
	s8 =	simm.s32 @!p0 $0x1BF5;
	p2 =	por !p2, p0  }
0x20: {  	[sflag:s8] =	ssyncset.s32 @!p0 $0xFFFFF086;
	s6 =	sadd.s32 @!p0 s3, s7;
	s7 =	simm.s32 @!p0 $0x108  }
0x21: {  	s3 =	sadd.s32 s3, s9;
	s6 =	sadd.s32 @!p0 $0x88, s6;
	s7 =	simm.s32 @p2 $0x1082  }
0x22: {  	[simem:s7], [sflag:s8] =	dma.local @!p0 [hbm:s6], $0xF7A  }
0x23: {  	s9 =	sor.u32 $0xD0000000, s2;
	s6 =	simm.s32 $0x108;
	_ =	swait.ge @!p0 [sflag:s8], $0x0  }
0x24: {  	s3 =	sadd.s32 $0x88, s3;
	s6 =	simm.s32 @!p1 $0x1082;
	[sflag:s4] =	ssyncset.s32 $0xFFFFF086  }
0x25: {  	[simem:s6], [sflag:s4] =	dma.local [hbm:s3], $0xF7A  }
0x26: {  	[smem:$0x3F8F] =	sst s1;
	(tag) =	ssettag s2;
	_ =	strace s9  }
0x27: {  	s1 =	sld [smem:$0x3F9F]  }
0x28: {  	s2 =	sld [smem:$0x3FA0]  }
0x29: {  	s4 =	sld [smem:$0x3FA2]  }
0x2a: {  	p0 =	seq.s32 s5, $0x0;
	s5 =	sld [smem:$0x3FA3]  }
0x2b: {  	s6 =	sld [smem:$0x3FA4]  }
0x2c: {  	s7 =	sld [smem:$0x3FA5]  }
0x2d: {  	s3 =	simm.s32 $0x108;
	s8 =	sld [smem:$0x3FA6]  }
0x2e: {  	s3 =	simm.s32 @!p0 $0x1082;
	s9 =	sld [smem:$0x3FA7]  }
0x2f: {  	lr =	sadd.s32 s0, s3;
	s0 =	sld [smem:$0x3F9E]  }
0x30: {  	s3 =	sld [smem:$0x3FA1]  }
0x31: {  	[smem:$0x3FAA] =	sst s10  }
0x32: {  	s10 =	sld [smem:$0x3FA8];
	_ =	sdelay $0x3  }
0x33: {  	p0 =	seq.s32 s10, $0x1;
	s10 =	sld [smem:$0x3FAA];
	_ =	sdelay $0x3  }
0x34: {  	[smem:$0x3FAA] =	sst s10  }
0x35: {  	s10 =	sld [smem:$0x3FA9];
	_ =	sdelay $0x3  }
0x36: {  	p1 =	seq.s32 s10, $0x1;
	s10 =	sld [smem:$0x3FAA];
	_ =	sdelay $0x3  }
0x37: {  	[smem:$0x3FAA] =	sst s10  }
0x38: {  	s10 =	sld [smem:$0x3FAB]  }
0x39: {  	_ = 	snop;
	(pc) =	sbr.ind lr, $3  }
0x3a: {  	_ = 	snop  }
0x3b: {  	_ = 	snop  }
0x3c: {  	p2 =	seq.s32 s10, $0x1;
	s10 =	sld [smem:$0x3FAA]  }
0x3d: {  	_ =	shalt  }
0x3e: {  	_ =	shalt  }
0x3f: {  	_ =	shalt  }
0x40: {  	_ =	shalt  }
0x41: {  	_ =	shalt  }
0x42: {  	_ =	shalt  }
0x43: {  	_ =	shalt  }
0x44: {  	_ =	shalt  }
0x45: {  	_ =	shalt  }
0x46: {  	_ =	shalt  }
0x47: {  	_ =	shalt  }
0x48: {  	_ =	shalt  }
0x49: {  	_ =	shalt  }
0x4a: {  	_ =	shalt  }
0x4b: {  	_ =	shalt  }
0x4c: {  	_ =	shalt  }
0x4d: {  	_ =	shalt  }
0x4e: {  	_ =	shalt  }
0x4f: {  	_ =	shalt  }
0x50: {  	_ =	shalt  }
0x51: {  	_ =	shalt  }
0x52: {  	_ =	shalt  }
0x53: {  	_ =	shalt  }
0x54: {  	_ =	shalt  }
0x55: {  	_ =	shalt  }
0x56: {  	_ =	shalt  }
0x57: {  	_ =	shalt  }
0x58: {  	_ =	shalt  }
0x59: {  	_ =	shalt  }
0x5a: {  	_ =	shalt  }
0x5b: {  	_ =	shalt  }
0x5c: {  	_ =	shalt  }
0x5d: {  	_ =	shalt  }
0x5e: {  	_ =	shalt  }
0x5f: {  	_ =	shalt  }
0x60: {  	_ =	shalt  }
0x61: {  	_ =	shalt  }
0x62: {  	_ =	shalt  }
0x63: {  	_ =	shalt  }
0x64: {  	_ =	shalt  }
0x65: {  	_ =	shalt  }
0x66: {  	_ =	shalt  }
0x67: {  	_ =	shalt  }
0x68: {  	_ =	shalt  }
0x69: {  	_ =	shalt  }
0x6a: {  	_ =	shalt  }
0x6b: {  	_ =	shalt  }
0x6c: {  	_ =	shalt  }
0x6d: {  	_ =	shalt  }
0x6e: {  	_ =	shalt  }
0x6f: {  	_ =	shalt  }
0x70: {  	_ =	shalt  }
0x71: {  	_ =	shalt  }
0x72: {  	_ =	shalt  }
0x73: {  	_ =	shalt  }
0x74: {  	_ =	shalt  }
0x75: {  	_ =	shalt  }
0x76: {  	_ =	shalt  }
0x77: {  	_ =	shalt  }
0x78: {  	_ =	shalt  }
0x79: {  	_ =	shalt  }
0x7a: {  	_ =	shalt  }
0x7b: {  	_ =	shalt  }
0x7c: {  	_ =	shalt  }
0x7d: {  	_ =	shalt  }
0x7e: {  	_ =	shalt  }
0x7f: {  	_ =	shalt  }
0x80: {  	_ =	shalt  }
0x81: {  	_ =	shalt  }
0x82: {  	_ =	shalt  }
0x83: {  	_ =	shalt  }
0x84: {  	_ =	shalt  }
0x85: {  	_ =	shalt  }
0x86: {  	_ =	shalt  }
0x87: {  	_ =	shalt  }
.Lfunc_end0:
.L_simem_size_0:
called_computation_lowered:
.L_overlay_start_0:
0x88: {  	s2 =	sld [smem:$0x3FD9]  }
0x89: {  	s3 =	sld [smem:$0x3FFE];
	_ =	sdelay $0x1  }
0x8a: {  	s1 =	srdreg.scid  }
0x8b: {  	s0 =	sand.u32 $0x1, s1  }
0x8c: {  	s17 =	sshll.u32 s0, $0xA;
	s2 =	sadd.s32 s3, s2  }
0x8d: {  	s2 =	sadd.s32 s2, s17  }
0x8e: {  	[smem:$0x3FB6] =	sst s2  }
0x8f: {  	_ = 	snop  }
0x90: {  	s2 =	sld [smem:$0x3FC8]  }
0x91: {  	s18 =	sld [smem:$0x3FC7];
	(tm) =	ssettm $0x1  }
0x92: {  	s4 =	sld [smem:$0x3FFB];
	_ =	sdelay $0x3  }
0x93: {  	_ =	strace s4  }
0x94: {  	s4 =	sld [smem:$0x3FFC];
	_ =	sdelay $0x3  }
0x95: {  	_ =	strace s4  }
0x96: {  	s4 =	sld [smem:$0x3FFD];
	_ =	sdelay $0x3  }
0x97: {  	_ =	strace s4  }
0x98: {  	_ =	strace $0x8FFFFFFF  }
0x99: {  	s19 =	sld [smem:$0x3FDB];
	_ =	sdelay $0x1  }
0x9a: {  	s5 =	simm.s32 $_scs_section_size  }
0x9b: {  	s6 =	simm.s32 $_size__tile_overlayer_lowered;
	s7 =	simm.s32 $_tile_overlayer_lowered  }
0x9c: {  	s22 =	simm.s32 $0x1BFF;
	s21 =	sshll.u32 s7, $0x1;
	s4 =	sadd.s32 s5, s19  }
0x9d: {  	s8 =	simm.s32 $0x0;
	s20 =	sshll.u32 s6, $0x1;
	s6 =	sadd.s32 s21, s4  }
0x9e: {  	[timem:s8], [sflag:s22] =	dma.local [hbm:s6], s20  }
0x9f: {  	_ =	swait.ge [sflag:s22], s20  }
0xa0: {  	s5 =	ssub.s32 $0x0, s20;
	[sflag:s22] =	ssyncset.done $0x0  }
0xa1: {  	[sflag:s22] =	ssyncadd.s32 s5;
	_ =	sdelay $0x1  }
0xa2: {  	s23 =	simm.s32 $0x1B8B  }
0xa3: {  	_ =	swait.ge [sflag:s23], $0x1  }
0xa4: {  	[sflag:s23] =	ssyncset.done $0x0  }
0xa5: {  	s25 =	simm.s32 $0x1B8E;
	s24 =	sld [smem:$0x3FFE];
	[sflag:s23] =	ssyncadd.s32 $0xFFFFFFFF  }
0xa6: {  	s26 =	simm.s32 $execute0_lowered;
	[smem:$0x3FD2] =	sst s25  }
0xa7: {  	s6 =	sshll.u32 s26, $0x1;
	_ =	strace $0x80000046;
	[dreg:$0x1] =	wrdreg $0xFFFFFFFF  }
0xa8: {  	s28 =	simm.s32 $_size_execute0_lowered;
	s4 =	sadd.s32 s4, s6;
	[dreg:$0x0] =	wrdreg $0x0  }
0xa9: {  	s6 =	sshll.u32 s28, $0x1;
	[dreg:$0x2] =	wrdreg s4  }
0xaa: {  	[dreg:$0x3] =	wrdreg s6  }
0xab: {  	[dreg:$0x4] =	wrdreg $0xC0  }
0xac: {  	_ =	task [dreg:s8], $0x5FFFF  }
0xad: {  	[dreg:$0x1] =	wrdreg $0xFFFFFFFF  }
0xae: {  	[dreg:$0x0] =	wrdreg $0x60  }
0xaf: {  	[dreg:$0x2] =	wrdreg s2  }
0xb0: {  	[dreg:$0x3] =	wrdreg s18  }
0xb1: {  	[dreg:$0x4] =	wrdreg s24  }
0xb2: {  	[dreg:$0x5] =	wrdreg $0x9  }
0xb3: {  	_ =	task.clear_ibuf [dreg:s8], $0x6FFFF;
	_ =	strace $0x90000046  }
0xb4: {  	s29 =	simm.s32 $0x9;
	_ =	strace $0x80000048  }
0xb5: {  	_ =	swait.ge [sflag:s29], $0x1  }
0xb6: {  	[sflag:s29] =	ssyncadd.s32 $0xFFFFFFFF  }
0xb7: {  	_ =	strace $0x90000048  }
0xb8: {  	_ =	sfence  }
0xb9: {  	s30 =	sld [smem:$0x0];
	_ =	sdelay $0x2  }
0xba: {  	s31 =	sshll.u32 s1, $0xD;
	s1 =	sshrl.u32 s1, $0x2  }
0xbb: {  	s3 =	sand.u32 $0x4000, s31;
	s1 =	sadd.s32 s1, s30  }
0xbc: {  	s0 =	sor.u32 s3, s0;
	s1 =	sshll.u32 s1, $0x11  }
0xbd: {  	s0 =	sor.u32 s1, s0  }
0xbe: {  	s0 =	sadd.s32 $0x8F2B, s0  }
0xbf: {  	[sflag:s0] =	ssyncadd.remote.s32 $0x1  }
0xc0: {  	_ =	sfence.sel $0xFFFF  }
0xc1: {  	[dreg:$0x0] =	wrdreg $0xFFFFFFFF;
	(pc) =	sbr.abs _section_cstart, $3  }
0xc2: {  	[dreg:$0x1] =	wrdreg $0xFFFFFFFF  }
0xc3: {  	_ =	task.clear_ibuf [dreg:s8], $0x2FFFF;
	_ =	strace $0x9FFFFFFF  }
0xc4: {  	(tm) =	ssettm $0x7FFFFFFF  }
0xc5: {  	_ =	shalt  }
tec
execute0_lowered:
.L_overlay_start_1:
0x0: {  	(tag) =	ssettag $0x1  }
0x1: {  	s2 =	srdreg.scid;
	s0 =	stileid.u32  }
0x2: {  	s1 =	rddreg [dreg:$0x0];
	s21 =	sand.u32 $0x1, s2;
	s30 =	sshll.u32 s0, $0x1  }
0x3: {  	s3 =	rddreg [dreg:$0x1];
	s16 =	sor.u32 s21, s30  }
0x4: {  	s18 =	rddreg [dreg:$0x2];
	s4 =	simm.s32 $0x0;
	s5 =	sshll.u32 s16, $0x5  }
0x5: {  	s6 =	simm.s32 $0x3;
	[smem:$0x7FF] =	sst s4;
	s7 =	sadd.s32 s5, s18  }
0x6: {  	s2 =	rddreg [dreg:$0x3];
	_ =	strace $0x80000047;
	s5 =	sadd.s32 $0x3C00, s7  }
0x7: {  	[tilespmem:s4], [sflag:$0x3] =	stream.linear.gather [hbm4b:s5+s4], $0x100, $0x38;
	[tilespmem:$0x10200] =	vst v63  }
0x8: {  	_ =	swait.ge [sflag:s6], $0x100  }
0x9: {  	[sflag:s6] =	ssyncset.done $0x0  }
0xa: {  	s8 =	simm.s32 $0x100;
	s7 =	sadd.s32 $0x3800, s7;
	[sflag:s6] =	ssyncadd.s32 $0xFFFFFF00  }
0xb: {  	[tilespmem:s8], [sflag:$0x3] =	stream.linear.gather [hbm4b:s7+s4], $0x100, $0x38;
	[tilespmem:$0x10200] =	vst v63  }
0xc: {  	_ =	swait.ge [sflag:s6], $0x100  }
0xd: {  	[sflag:s6] =	ssyncset.done $0x0  }
0xe: {  	s9 =	simm.s32 $0x80;
	s10 =	simm.s32 $0x200;
	[sflag:s6] =	ssyncadd.s32 $0xFFFFFF00  }
0xf: {  	[tilespmem:s10], [sflag:$0x1] =	stream.indirect.gather [hbm4b:s1+s9], $0x80, s4, s9, $0xb8;
	[tilespmem:$0x10200] =	vst v63  }
0x10: {  	s11 =	simm.s32 $0x4200  }
0x11: {  	[tilespmem:s11], [sflag:$0x1] =	stream.indirect.gather [hbm4b:s1+s9], $0x80, s9, s9, $0xb8;
	[tilespmem:$0x10200] =	vst v63  }
0x12: {  	s12 =	simm.s32 $0x8200  }
0x13: {  	[tilespmem:s12], [sflag:$0x1] =	stream.indirect.gather [hbm4b:s3+s9], $0x80, s8, s9, $0xb8;
	[tilespmem:$0x10200] =	vst v63  }
0x14: {  	s13 =	simm.s32 $0x180;
	s14 =	simm.s32 $0xC200;
	s15 =	simm.s32 $0x1  }
0x15: {  	[tilespmem:s14], [sflag:$0x1] =	stream.indirect.gather [hbm4b:s3+s9], $0x80, s13, s9, $0xb8;
	[tilespmem:$0x10200] =	vst v63  }
0x16: {  	_ =	swait.ge [sflag:s15], $0x4000  }
0x17: {  	s17 =	sadd.s32 $0x4000, s18;
	s19 =	sshll.u32 s16, $0xC;
	[sflag:s15] =	ssyncset.done $0x0  }
0x18: {  	s16 =	sadd.s32 s17, s19;
	[sflag:s15] =	ssyncadd.s32 $0xFFFFC000  }
0x19: {  	[hbm4b:s16+s4] =	stream.linear.scatter [tilespmem:s10], [sflag:$0x2], $0x4000, $0x38;
	[tilespmem:$0x10200] =	vst v63  }
0x1a: {  	_ =	swait.ge [sflag:s15], $0x4000  }
0x1b: {  	s20 =	sor.u32 $0x800, s19;
	[sflag:s15] =	ssyncset.done $0x0  }
0x1c: {  	s17 =	sadd.s32 s17, s20;
	[sflag:s15] =	ssyncadd.s32 $0xFFFFC000  }
0x1d: {  	[hbm4b:s17+s4] =	stream.linear.scatter [tilespmem:s11], [sflag:$0x2], $0x4000, $0x38;
	[tilespmem:$0x10200] =	vst v63  }
0x1e: {  	_ =	swait.ge [sflag:s15], $0x4000  }
0x1f: {  	s22 =	sadd.s32 $0x24000, s18;
	[sflag:s15] =	ssyncset.done $0x0  }
0x20: {  	s18 =	sadd.s32 s22, s19;
	[sflag:s15] =	ssyncadd.s32 $0xFFFFC000  }
0x21: {  	[hbm4b:s18+s4] =	stream.linear.scatter [tilespmem:s12], [sflag:$0x2], $0x4000, $0x38;
	[tilespmem:$0x10200] =	vst v63  }
0x22: {  	_ =	swait.ge [sflag:s15], $0x4000  }
0x23: {  	[sflag:s15] =	ssyncset.done $0x0  }
0x24: {  	s19 =	simm.s32 $0x2;
	s20 =	sadd.s32 s22, s20;
	[sflag:s15] =	ssyncadd.s32 $0xFFFFC000  }
0x25: {  	[hbm4b:s20+s4] =	stream.linear.scatter [tilespmem:s14], [sflag:$0x2], $0x4000, $0x38;
	[tilespmem:$0x10200] =	vst v63  }
0x26: {  	_ =	swait.ge [sflag:s19], $0x4000  }
0x27: {  	s21 =	ssub.s32 $0x2, s21;
	[sflag:s19] =	ssyncset.done $0x0  }
0x28: {  	s31 =	sshrl.u32 s21, $0x1;
	[sflag:s19] =	ssyncadd.s32 $0xFFFFC000  }
0x29: {  	s21 =	ssub.s32 s21, s31;
	_ =	swait.ge [sflag:s19], $0x4000  }
0x2a: {  	s21 =	smax.u32 s21, $0x1;
	[sflag:s19] =	ssyncset.done $0x0  }
0x2b: {  	p0 =	sne.s32 s21, $0x1;
	[sflag:s19] =	ssyncadd.s32 $0xFFFFC000  }
.Ltmp0:
0x2c: {  	_ =	swait.ge [sflag:s19], $0x4000;
	(pc) =	sbr.rel @!p0 .LBB2_2-.Ltmp0, $4  }
0x2d: {  	[sflag:s19] =	ssyncset.done $0x0  }
0x2e: {  	[sflag:s19] =	ssyncadd.s32 $0xFFFFC000  }
0x2f: {  	_ =	swait.ge [sflag:s19], $0x4000  }
0x30: {  	s21 =	sadd.s32 $0xFFFFFFFF, s21;
	[sflag:s19] =	ssyncset.done $0x0  }
.LBB2_1:
0x31: {  	p0 =	sne.s32 s21, $0x1;
	s21 =	sadd.s32 $0xFFFFFFFF, s21;
	[sflag:s19] =	ssyncadd.s32 $0xFFFFC000  }
0x32: {  	[tilespmem:s4], [sflag:$0x3] =	stream.linear.gather [hbm4b:s5+s4], $0x100, $0x38;
	[tilespmem:$0x10200] =	vst v63  }
0x33: {  	_ =	swait.ge [sflag:s6], $0x100  }
0x34: {  	[sflag:s6] =	ssyncset.done $0x0  }
0x35: {  	[sflag:s6] =	ssyncadd.s32 $0xFFFFFF00  }
0x36: {  	[tilespmem:s8], [sflag:$0x3] =	stream.linear.gather [hbm4b:s7+s4], $0x100, $0x38;
	[tilespmem:$0x10200] =	vst v63  }
0x37: {  	_ =	swait.ge [sflag:s6], $0x100  }
0x38: {  	[sflag:s6] =	ssyncset.done $0x0  }
0x39: {  	[sflag:s6] =	ssyncadd.s32 $0xFFFFFF00  }
0x3a: {  	[tilespmem:s10], [sflag:$0x1] =	stream.indirect.gather [hbm4b:s1+s9], $0x80, s4, s9, $0xb8;
	[tilespmem:$0x10200] =	vst v63  }
0x3b: {  	_ = 	snop  }
0x3c: {  	[tilespmem:s11], [sflag:$0x1] =	stream.indirect.gather [hbm4b:s1+s9], $0x80, s9, s9, $0xb8;
	[tilespmem:$0x10200] =	vst v63  }
0x3d: {  	_ = 	snop  }
0x3e: {  	[tilespmem:s12], [sflag:$0x1] =	stream.indirect.gather [hbm4b:s3+s9], $0x80, s8, s9, $0xb8;
	[tilespmem:$0x10200] =	vst v63  }
0x3f: {  	_ = 	snop  }
0x40: {  	[tilespmem:s14], [sflag:$0x1] =	stream.indirect.gather [hbm4b:s3+s9], $0x80, s13, s9, $0xb8;
	[tilespmem:$0x10200] =	vst v63  }
0x41: {  	_ =	swait.ge [sflag:s15], $0x4000  }
0x42: {  	[sflag:s15] =	ssyncset.done $0x0  }
0x43: {  	[sflag:s15] =	ssyncadd.s32 $0xFFFFC000  }
0x44: {  	[hbm4b:s16+s4] =	stream.linear.scatter [tilespmem:s10], [sflag:$0x2], $0x4000, $0x38;
	[tilespmem:$0x10200] =	vst v63  }
0x45: {  	_ =	swait.ge [sflag:s15], $0x4000  }
0x46: {  	[sflag:s15] =	ssyncset.done $0x0  }
0x47: {  	[sflag:s15] =	ssyncadd.s32 $0xFFFFC000  }
0x48: {  	[hbm4b:s17+s4] =	stream.linear.scatter [tilespmem:s11], [sflag:$0x2], $0x4000, $0x38;
	[tilespmem:$0x10200] =	vst v63  }
0x49: {  	_ =	swait.ge [sflag:s15], $0x4000  }
0x4a: {  	[sflag:s15] =	ssyncset.done $0x0  }
0x4b: {  	[sflag:s15] =	ssyncadd.s32 $0xFFFFC000  }
0x4c: {  	[hbm4b:s18+s4] =	stream.linear.scatter [tilespmem:s12], [sflag:$0x2], $0x4000, $0x38;
	[tilespmem:$0x10200] =	vst v63  }
0x4d: {  	_ =	swait.ge [sflag:s15], $0x4000  }
0x4e: {  	[sflag:s15] =	ssyncset.done $0x0  }
0x4f: {  	[sflag:s15] =	ssyncadd.s32 $0xFFFFC000  }
0x50: {  	[hbm4b:s20+s4] =	stream.linear.scatter [tilespmem:s14], [sflag:$0x2], $0x4000, $0x38;
	[tilespmem:$0x10200] =	vst v63  }
0x51: {  	_ =	swait.ge [sflag:s19], $0x4000  }
0x52: {  	[sflag:s19] =	ssyncset.done $0x0  }
0x53: {  	[sflag:s19] =	ssyncadd.s32 $0xFFFFC000  }
0x54: {  	_ =	swait.ge [sflag:s19], $0x4000  }
0x55: {  	[sflag:s19] =	ssyncset.done $0x0  }
0x56: {  	[sflag:s19] =	ssyncadd.s32 $0xFFFFC000  }
.Ltmp1:
0x57: {  	_ =	swait.ge [sflag:s19], $0x4000;
	(pc) =	sbr.rel @p0 .LBB2_1-.Ltmp1, $4  }
0x58: {  	[sflag:s19] =	ssyncset.done $0x0  }
0x59: {  	[sflag:s19] =	ssyncadd.s32 $0xFFFFC000  }
0x5a: {  	_ =	swait.ge [sflag:s19], $0x4000  }
0x5b: {  	[sflag:s19] =	ssyncset.done $0x0  }
.LBB2_2:
0x5c: {  	[sflag:s19] =	ssyncadd.s32 $0xFFFFC000  }
0x5d: {  	_ =	sfence.sel $0x180000  }
0x5e: {  	[bflag:$0x0] =	sbarrier.arrive $0xFFFF  }
0x5f: {  	p0 =	sne.s32 s0, $0x0;
	_ =	strace $0x90000047  }
0x60: {  	s0 =	sadd.s32 @!p0 $0x100000, s2;
	[bflag:$0x2] =	sbarrier.arrive $0xFFFF  }
0x61: {  	[sflag:s0] =	ssyncadd.tile.s32 @!p0 $0x1;
	_ =	shalt  }
.Lfunc_end2:
_tile_overlayer_lowered:
.L_overlay_start_2:
0x62: {  	(tag) =	ssettag $0x2  }
0x63: {  	s0 =	rddreg [dreg:$0x0];
	s2 =	stileid.u32  }
0x64: {  	s1 =	rddreg [dreg:$0x1];
	p0 =	sne.s32 s2, $0x0  }
0x65: {  	s3 =	rddreg [dreg:$0x2];
	[bflag:$0x3] =	sbarrier.arrive $0xFFFF;
	s2 =	simm.s32 @!p0 $0x1C03  }
0x66: {  	[timem:s3], [sflag:s2] =	dma.local @!p0 [hbm:s0], s1  }
0x67: {  	s0 =	simm.s32 @!p0 $0x3  }
0x68: {  	_ =	swait.ge @!p0 [sflag:s0], s1  }
0x69: {  	s1 =	ssub.s32 @!p0 $0x0, s1;
	[sflag:s0] =	ssyncset.done @!p0 $0x0  }
0x6a: {  	[sflag:s0] =	ssyncadd.s32 @!p0 s1  }
0x6b: {  	[bflag:$0x3] =	sbarrier.arrive $0xFFFF  }
0x6c: {  	_ =	shalt  }

// kernel: kernel.9.cloned.1.call-start
scs
__scs_entry_jumppad:
0x0: {  	(pc) =	sbr.rel $0x88, $3  }
0x1: {  	(tag) =	ssettag $0x0;
	lr =	simm.s32 $0x1  }
0x2: {  	[smem:$0x3F8F] =	sst lr;
	_ =	strace $0xD0000000  }
0x3: {  	_ = 	snop  }
0x4: {  	_ = 	snop  }
0x5: {  	_ = 	snop  }
0x6: {  	_ = 	snop  }
0x7: {  	_ = 	snop  }
__scs_overlays_trampoline_lowered:
0x8: {  	[smem:$0x3F9E] =	sst s0  }
0x9: {  	[smem:$0x3F9F] =	sst s1  }
0xa: {  	[smem:$0x3FA0] =	sst s2  }
0xb: {  	[smem:$0x3FA1] =	sst s3  }
0xc: {  	[smem:$0x3FA2] =	sst s4  }
0xd: {  	[smem:$0x3FA3] =	sst s5  }
0xe: {  	[smem:$0x3FA4] =	sst s6  }
0xf: {  	[smem:$0x3FA5] =	sst s7  }
0x10: {  	[smem:$0x3FA6] =	sst s8  }
0x11: {  	[smem:$0x3FA7] =	sst s9;
	s0 =	simm.s32 @!p0 $0x0  }
0x12: {  	s1 =	sld [smem:$0x3F8D];
	s0 =	simm.s32 @p0 $0x1  }
0x13: {  	[smem:$0x3FA8] =	sst s0;
	s0 =	simm.s32 @!p1 $0x0  }
0x14: {  	s2 =	sld [smem:$0x3F8C];
	s0 =	simm.s32 @p1 $0x1  }
0x15: {  	[smem:$0x3FA9] =	sst s0;
	s0 =	simm.s32 @!p2 $0x0  }
0x16: {  	s3 =	sld [smem:$0x3FDB];
	s0 =	simm.s32 @p2 $0x1  }
0x17: {  	s4 =	simm.s32 $0x1BF5;
	[smem:$0x3FAB] =	sst s0  }
0x18: {  	s0 =	sld [smem:$0x3F8E];
	_ =	swait.ge [sflag:s4], $0x0  }
0x19: {  	s7 =	sld [smem:$0x3F8F]  }
0x1a: {  	s8 =	sadd.s32 $0xFFFFE003, lr  }
0x1b: {  	s9 =	sadd.s32 $0xFFFFFEF7, lr;
	s5 =	simm.s32 $0xFFFFFFFF;
	p2 =	slt.u32 s8, $0xFFFFF086  }
0x1c: {  	p1 =	slt.u32 s9, $0xF7A;
	s5 =	simm.s32 @!p2 $0x0  }
0x1d: {  	s5 =	simm.s32 @p1 $0x1;
	p0 =	seq.s32 s7, s2  }
0x1e: {  	s7 =	smul.u32 @!p0 $0xF7A, s2;
	p2 =	seq.s32 @!p0 s5, $0x0  }
0x1f: {  	s9 =	smul.u32 $0xF7A, s1;
	s8 =	simm.s32 @!p0 $0x1BF5;
	p2 =	por !p2, p0  }
0x20: {  	[sflag:s8] =	ssyncset.s32 @!p0 $0xFFFFF086;
	s6 =	sadd.s32 @!p0 s3, s7;
	s7 =	simm.s32 @!p0 $0x108  }
0x21: {  	s3 =	sadd.s32 s3, s9;
	s6 =	sadd.s32 @!p0 $0x88, s6;
	s7 =	simm.s32 @p2 $0x1082  }
0x22: {  	[simem:s7], [sflag:s8] =	dma.local @!p0 [hbm:s6], $0xF7A  }
0x23: {  	s9 =	sor.u32 $0xD0000000, s2;
	s6 =	simm.s32 $0x108;
	_ =	swait.ge @!p0 [sflag:s8], $0x0  }
0x24: {  	s3 =	sadd.s32 $0x88, s3;
	s6 =	simm.s32 @!p1 $0x1082;
	[sflag:s4] =	ssyncset.s32 $0xFFFFF086  }
0x25: {  	[simem:s6], [sflag:s4] =	dma.local [hbm:s3], $0xF7A  }
0x26: {  	[smem:$0x3F8F] =	sst s1;
	(tag) =	ssettag s2;
	_ =	strace s9  }
0x27: {  	s1 =	sld [smem:$0x3F9F]  }
0x28: {  	s2 =	sld [smem:$0x3FA0]  }
0x29: {  	s4 =	sld [smem:$0x3FA2]  }
0x2a: {  	p0 =	seq.s32 s5, $0x0;
	s5 =	sld [smem:$0x3FA3]  }
0x2b: {  	s6 =	sld [smem:$0x3FA4]  }
0x2c: {  	s7 =	sld [smem:$0x3FA5]  }
0x2d: {  	s3 =	simm.s32 $0x108;
	s8 =	sld [smem:$0x3FA6]  }
0x2e: {  	s3 =	simm.s32 @!p0 $0x1082;
	s9 =	sld [smem:$0x3FA7]  }
0x2f: {  	lr =	sadd.s32 s0, s3;
	s0 =	sld [smem:$0x3F9E]  }
0x30: {  	s3 =	sld [smem:$0x3FA1]  }
0x31: {  	[smem:$0x3FAA] =	sst s10  }
0x32: {  	s10 =	sld [smem:$0x3FA8];
	_ =	sdelay $0x3  }
0x33: {  	p0 =	seq.s32 s10, $0x1;
	s10 =	sld [smem:$0x3FAA];
	_ =	sdelay $0x3  }
0x34: {  	[smem:$0x3FAA] =	sst s10  }
0x35: {  	s10 =	sld [smem:$0x3FA9];
	_ =	sdelay $0x3  }
0x36: {  	p1 =	seq.s32 s10, $0x1;
	s10 =	sld [smem:$0x3FAA];
	_ =	sdelay $0x3  }
0x37: {  	[smem:$0x3FAA] =	sst s10  }
0x38: {  	s10 =	sld [smem:$0x3FAB]  }
0x39: {  	_ = 	snop;
	(pc) =	sbr.ind lr, $3  }
0x3a: {  	_ = 	snop  }
0x3b: {  	_ = 	snop  }
0x3c: {  	p2 =	seq.s32 s10, $0x1;
	s10 =	sld [smem:$0x3FAA]  }
0x3d: {  	_ =	shalt  }
0x3e: {  	_ =	shalt  }
0x3f: {  	_ =	shalt  }
0x40: {  	_ =	shalt  }
0x41: {  	_ =	shalt  }
0x42: {  	_ =	shalt  }
0x43: {  	_ =	shalt  }
0x44: {  	_ =	shalt  }
0x45: {  	_ =	shalt  }
0x46: {  	_ =	shalt  }
0x47: {  	_ =	shalt  }
0x48: {  	_ =	shalt  }
0x49: {  	_ =	shalt  }
0x4a: {  	_ =	shalt  }
0x4b: {  	_ =	shalt  }
0x4c: {  	_ =	shalt  }
0x4d: {  	_ =	shalt  }
0x4e: {  	_ =	shalt  }
0x4f: {  	_ =	shalt  }
0x50: {  	_ =	shalt  }
0x51: {  	_ =	shalt  }
0x52: {  	_ =	shalt  }
0x53: {  	_ =	shalt  }
0x54: {  	_ =	shalt  }
0x55: {  	_ =	shalt  }
0x56: {  	_ =	shalt  }
0x57: {  	_ =	shalt  }
0x58: {  	_ =	shalt  }
0x59: {  	_ =	shalt  }
0x5a: {  	_ =	shalt  }
0x5b: {  	_ =	shalt  }
0x5c: {  	_ =	shalt  }
0x5d: {  	_ =	shalt  }
0x5e: {  	_ =	shalt  }
0x5f: {  	_ =	shalt  }
0x60: {  	_ =	shalt  }
0x61: {  	_ =	shalt  }
0x62: {  	_ =	shalt  }
0x63: {  	_ =	shalt  }
0x64: {  	_ =	shalt  }
0x65: {  	_ =	shalt  }
0x66: {  	_ =	shalt  }
0x67: {  	_ =	shalt  }
0x68: {  	_ =	shalt  }
0x69: {  	_ =	shalt  }
0x6a: {  	_ =	shalt  }
0x6b: {  	_ =	shalt  }
0x6c: {  	_ =	shalt  }
0x6d: {  	_ =	shalt  }
0x6e: {  	_ =	shalt  }
0x6f: {  	_ =	shalt  }
0x70: {  	_ =	shalt  }
0x71: {  	_ =	shalt  }
0x72: {  	_ =	shalt  }
0x73: {  	_ =	shalt  }
0x74: {  	_ =	shalt  }
0x75: {  	_ =	shalt  }
0x76: {  	_ =	shalt  }
0x77: {  	_ =	shalt  }
0x78: {  	_ =	shalt  }
0x79: {  	_ =	shalt  }
0x7a: {  	_ =	shalt  }
0x7b: {  	_ =	shalt  }
0x7c: {  	_ =	shalt  }
0x7d: {  	_ =	shalt  }
0x7e: {  	_ =	shalt  }
0x7f: {  	_ =	shalt  }
0x80: {  	_ =	shalt  }
0x81: {  	_ =	shalt  }
0x82: {  	_ =	shalt  }
0x83: {  	_ =	shalt  }
0x84: {  	_ =	shalt  }
0x85: {  	_ =	shalt  }
0x86: {  	_ =	shalt  }
0x87: {  	_ =	shalt  }
.Lfunc_end0:
.L_simem_size_0:
called_computation.1_lowered:
.L_overlay_start_0:
0x88: {  	s2 =	sld [smem:$0x3FD9]  }
0x89: {  	s3 =	sld [smem:$0x3FFE];
	_ =	sdelay $0x1  }
0x8a: {  	s1 =	srdreg.scid  }
0x8b: {  	s0 =	sand.u32 $0x1, s1  }
0x8c: {  	s17 =	sshll.u32 s0, $0xA;
	s2 =	sadd.s32 s3, s2  }
0x8d: {  	s2 =	sadd.s32 s2, s17  }
0x8e: {  	[smem:$0x3FB6] =	sst s2  }
0x8f: {  	_ = 	snop  }
0x90: {  	s18 =	sld [smem:$0x3FC8]  }
0x91: {  	s4 =	sld [smem:$0x3FC7]  }
0x92: {  	s5 =	sld [smem:$0x3FD0];
	(tm) =	ssettm $0x1  }
0x93: {  	s19 =	sld [smem:$0x3FFB];
	_ =	sdelay $0x3  }
0x94: {  	_ =	strace s19  }
0x95: {  	s2 =	sld [smem:$0x3FFC];
	_ =	sdelay $0x3  }
0x96: {  	_ =	strace s2  }
0x97: {  	s2 =	sld [smem:$0x3FFD];
	_ =	sdelay $0x3  }
0x98: {  	_ =	strace s2  }
0x99: {  	_ =	strace $0x8FFFFFFF  }
0x9a: {  	s20 =	sld [smem:$0x3FDB];
	_ =	sdelay $0x1  }
0x9b: {  	s6 =	simm.s32 $_scs_section_size  }
0x9c: {  	s7 =	simm.s32 $_size__tile_overlayer_lowered;
	s8 =	simm.s32 $_tile_overlayer_lowered  }
0x9d: {  	s9 =	simm.s32 $0x1BFF;
	s21 =	sshll.u32 s8, $0x1;
	s6 =	sadd.s32 s6, s20  }
0x9e: {  	s22 =	simm.s32 $0x0;
	s7 =	sshll.u32 s7, $0x1;
	s8 =	sadd.s32 s21, s6  }
0x9f: {  	[timem:s22], [sflag:s9] =	dma.local [hbm:s8], s7  }
0xa0: {  	_ =	swait.ge [sflag:s9], s7  }
0xa1: {  	s7 =	ssub.s32 $0x0, s7;
	[sflag:s9] =	ssyncset.done $0x0  }
0xa2: {  	[sflag:s9] =	ssyncadd.s32 s7;
	_ =	sdelay $0x1  }
0xa3: {  	s23 =	simm.s32 $0x1B8B  }
0xa4: {  	_ =	swait.ge [sflag:s23], $0x1  }
0xa5: {  	[sflag:s23] =	ssyncset.done $0x0  }
0xa6: {  	[sflag:s23] =	ssyncadd.s32 $0xFFFFFFFF  }
0xa7: {  	s7 =	sld [smem:$0x0]  }
0xa8: {  	s8 =	sand.u32 $0xFFFFFFFE, s1  }
0xa9: {  	p0 =	sne.s32 s1, s8  }
0xaa: {  	s8 =	sshll.u32 @p0 s8, $0xE  }
0xab: {  	s8 =	sadd.s32 @p0 $0x11B8D, s8;
	s9 =	sshll.u32 @p0 s7, $0x11  }
0xac: {  	s8 =	sor.u32 @p0 s9, s8  }
0xad: {  	[sflag:s8] =	ssyncadd.remote.s32 @p0 $0x1;
	_ =	sdelay $0x1  }
0xae: {  	s8 =	simm.s32 @p0 $0x1B8D  }
0xaf: {  	_ =	swait.eq @p0 [sflag:s8], $0x1  }
0xb0: {  	[sflag:s8] =	ssyncadd.s32 @p0 $0xFFFFFFFF  }
0xb1: {  	s9 =	sshll.u32 @!p0 s1, $0xE  }
0xb2: {  	s9 =	sor.u32 @!p0 $0x4000, s9;
	s8 =	simm.s32 @!p0 $0x1B8D  }
0xb3: {  	s7 =	sshll.u32 @!p0 s7, $0x11;
	s9 =	sadd.s32 @!p0 $0x11B8D, s9;
	_ =	swait.eq @!p0 [sflag:s8], $0x1  }
0xb4: {  	s7 =	sor.u32 @!p0 s7, s9;
	[sflag:s8] =	ssyncadd.s32 @!p0 $0xFFFFFFFF  }
0xb5: {  	s25 =	simm.s32 $0x1B8E;
	s24 =	sld [smem:$0x3FFE];
	[sflag:s7] =	ssyncadd.remote.s32 @!p0 $0x1  }
0xb6: {  	s26 =	simm.s32 $execute0_lowered;
	[smem:$0x3FD2] =	sst s25  }
0xb7: {  	s8 =	sshll.u32 s26, $0x1;
	_ =	strace $0x80000049;
	[dreg:$0x1] =	wrdreg $0xFFFFFFFF  }
0xb8: {  	s28 =	simm.s32 $_size_execute0_lowered;
	s6 =	sadd.s32 s6, s8;
	[dreg:$0x0] =	wrdreg $0x0  }
0xb9: {  	s8 =	sshll.u32 s28, $0x1;
	[dreg:$0x2] =	wrdreg s6  }
0xba: {  	[dreg:$0x3] =	wrdreg s8  }
0xbb: {  	[dreg:$0x4] =	wrdreg $0xC0  }
0xbc: {  	_ =	task [dreg:s22], $0x5FFFF  }
0xbd: {  	[dreg:$0x1] =	wrdreg $0xFFFFFFFF  }
0xbe: {  	[dreg:$0x0] =	wrdreg $0x60  }
0xbf: {  	[dreg:$0x2] =	wrdreg s18  }
0xc0: {  	[dreg:$0x3] =	wrdreg s4  }
0xc1: {  	[dreg:$0x4] =	wrdreg s5  }
0xc2: {  	[dreg:$0x5] =	wrdreg s24  }
0xc3: {  	[dreg:$0x6] =	wrdreg $0xA  }
0xc4: {  	_ =	task.clear_ibuf [dreg:s22], $0x7FFFF;
	_ =	strace $0x90000049  }
0xc5: {  	s29 =	simm.s32 $0xA;
	_ =	strace $0x8000004B  }
0xc6: {  	_ =	swait.ge [sflag:s29], $0x1  }
0xc7: {  	[sflag:s29] =	ssyncadd.s32 $0xFFFFFFFF  }
0xc8: {  	_ =	strace $0x9000004B  }
0xc9: {  	_ =	sfence  }
0xca: {  	s30 =	sld [smem:$0x0];
	_ =	sdelay $0x2  }
0xcb: {  	s31 =	sshll.u32 s1, $0xD;
	s1 =	sshrl.u32 s1, $0x2  }
0xcc: {  	s4 =	sand.u32 $0x4000, s31;
	s1 =	sadd.s32 s1, s30  }
0xcd: {  	s0 =	sor.u32 s4, s0;
	s1 =	sshll.u32 s1, $0x11  }
0xce: {  	s0 =	sor.u32 s1, s0  }
0xcf: {  	s0 =	sadd.s32 $0x8F2B, s0  }
0xd0: {  	[sflag:s0] =	ssyncadd.remote.s32 $0x1  }
0xd1: {  	_ =	sfence.sel $0xFFFF  }
0xd2: {  	[dreg:$0x0] =	wrdreg $0xFFFFFFFF;
	(pc) =	sbr.abs _section_cstart, $3  }
0xd3: {  	[dreg:$0x1] =	wrdreg $0xFFFFFFFF  }
0xd4: {  	_ =	task.clear_ibuf [dreg:s22], $0x2FFFF;
	_ =	strace $0x9FFFFFFF  }
0xd5: {  	(tm) =	ssettm $0x7FFFFFFF  }
tec
execute0_lowered:
.L_overlay_start_1:
0x0: {  	(tag) =	ssettag $0x1  }
0x1: {  	s1 =	rddreg [dreg:$0x0]  }
0x2: {  	s3 =	rddreg [dreg:$0x1]  }
0x3: {  	s5 =	rddreg [dreg:$0x2]  }
0x4: {  	s2 =	srdreg.scid;
	s0 =	stileid.u32  }
0x5: {  	s18 =	rddreg [dreg:$0x3];
	s21 =	sand.u32 $0x1, s2;
	s6 =	sshll.u32 s0, $0x1  }
0x6: {  	s4 =	simm.s32 $0x0;
	s2 =	rddreg [dreg:$0x4];
	s16 =	sor.u32 s21, s6  }
0x7: {  	[smem:$0x7FF] =	sst s4;
	s7 =	sshll.u32 s16, $0x5  }
0x8: {  	_ =	strace $0x8000004A;
	s6 =	simm.s32 $0x3;
	s5 =	sadd.s32 s5, s7  }
0x9: {  	[tilespmem:s4], [sflag:$0x3] =	stream.linear.gather [hbm4b:s5+s4], $0x100, $0x38;
	[tilespmem:$0x10200] =	vst v63  }
0xa: {  	_ =	swait.ge [sflag:s6], $0x100  }
0xb: {  	s7 =	sadd.s32 s7, s18;
	[sflag:s6] =	ssyncset.done $0x0  }
0xc: {  	s8 =	simm.s32 $0x100;
	s7 =	sadd.s32 $0x44000, s7;
	[sflag:s6] =	ssyncadd.s32 $0xFFFFFF00  }
0xd: {  	[tilespmem:s8], [sflag:$0x3] =	stream.linear.gather [hbm4b:s7+s4], $0x100, $0x38;
	[tilespmem:$0x10200] =	vst v63  }
0xe: {  	_ =	swait.ge [sflag:s6], $0x100  }
0xf: {  	[sflag:s6] =	ssyncset.done $0x0  }
0x10: {  	s9 =	simm.s32 $0x80;
	s10 =	simm.s32 $0x200;
	[sflag:s6] =	ssyncadd.s32 $0xFFFFFF00  }
0x11: {  	[tilespmem:s10], [sflag:$0x1] =	stream.indirect.gather [hbm4b:s1+s9], $0x80, s4, s9, $0xb8;
	[tilespmem:$0x10200] =	vst v63  }
0x12: {  	s11 =	simm.s32 $0x4200  }
0x13: {  	[tilespmem:s11], [sflag:$0x1] =	stream.indirect.gather [hbm4b:s1+s9], $0x80, s9, s9, $0xb8;
	[tilespmem:$0x10200] =	vst v63  }
0x14: {  	s12 =	simm.s32 $0x8200  }
0x15: {  	[tilespmem:s12], [sflag:$0x1] =	stream.indirect.gather [hbm4b:s3+s9], $0x80, s8, s9, $0xb8;
	[tilespmem:$0x10200] =	vst v63  }
0x16: {  	s13 =	simm.s32 $0x180;
	s14 =	simm.s32 $0xC200;
	s15 =	simm.s32 $0x1  }
0x17: {  	[tilespmem:s14], [sflag:$0x1] =	stream.indirect.gather [hbm4b:s3+s9], $0x80, s13, s9, $0xb8;
	[tilespmem:$0x10200] =	vst v63  }
0x18: {  	_ =	swait.ge [sflag:s15], $0x4000  }
0x19: {  	s17 =	sadd.s32 $0x44400, s18;
	s19 =	sshll.u32 s16, $0xC;
	[sflag:s15] =	ssyncset.done $0x0  }
0x1a: {  	s16 =	sadd.s32 s17, s19;
	[sflag:s15] =	ssyncadd.s32 $0xFFFFC000  }
0x1b: {  	[hbm4b:s16+s4] =	stream.linear.scatter [tilespmem:s10], [sflag:$0x2], $0x4000, $0x38;
	[tilespmem:$0x10200] =	vst v63  }
0x1c: {  	_ =	swait.ge [sflag:s15], $0x4000  }
0x1d: {  	s20 =	sor.u32 $0x800, s19;
	[sflag:s15] =	ssyncset.done $0x0  }
0x1e: {  	s17 =	sadd.s32 s17, s20;
	[sflag:s15] =	ssyncadd.s32 $0xFFFFC000  }
0x1f: {  	[hbm4b:s17+s4] =	stream.linear.scatter [tilespmem:s11], [sflag:$0x2], $0x4000, $0x38;
	[tilespmem:$0x10200] =	vst v63  }
0x20: {  	_ =	swait.ge [sflag:s15], $0x4000  }
0x21: {  	s22 =	sadd.s32 $0x64400, s18;
	[sflag:s15] =	ssyncset.done $0x0  }
0x22: {  	s18 =	sadd.s32 s22, s19;
	[sflag:s15] =	ssyncadd.s32 $0xFFFFC000  }
0x23: {  	[hbm4b:s18+s4] =	stream.linear.scatter [tilespmem:s12], [sflag:$0x2], $0x4000, $0x38;
	[tilespmem:$0x10200] =	vst v63  }
0x24: {  	_ =	swait.ge [sflag:s15], $0x4000  }
0x25: {  	[sflag:s15] =	ssyncset.done $0x0  }
0x26: {  	s19 =	simm.s32 $0x2;
	s20 =	sadd.s32 s22, s20;
	[sflag:s15] =	ssyncadd.s32 $0xFFFFC000  }
0x27: {  	[hbm4b:s20+s4] =	stream.linear.scatter [tilespmem:s14], [sflag:$0x2], $0x4000, $0x38;
	[tilespmem:$0x10200] =	vst v63  }
0x28: {  	_ =	swait.ge [sflag:s19], $0x4000  }
0x29: {  	s21 =	ssub.s32 $0x2, s21;
	[sflag:s19] =	ssyncset.done $0x0  }
0x2a: {  	s31 =	sshrl.u32 s21, $0x1;
	[sflag:s19] =	ssyncadd.s32 $0xFFFFC000  }
0x2b: {  	s21 =	ssub.s32 s21, s31;
	_ =	swait.ge [sflag:s19], $0x4000  }
0x2c: {  	s21 =	smax.u32 s21, $0x1;
	[sflag:s19] =	ssyncset.done $0x0  }
0x2d: {  	p0 =	sne.s32 s21, $0x1;
	[sflag:s19] =	ssyncadd.s32 $0xFFFFC000  }
.Ltmp0:
0x2e: {  	_ =	swait.ge [sflag:s19], $0x4000;
	(pc) =	sbr.rel @!p0 .LBB2_2-.Ltmp0, $4  }
0x2f: {  	[sflag:s19] =	ssyncset.done $0x0  }
0x30: {  	[sflag:s19] =	ssyncadd.s32 $0xFFFFC000  }
0x31: {  	_ =	swait.ge [sflag:s19], $0x4000  }
0x32: {  	s21 =	sadd.s32 $0xFFFFFFFF, s21;
	[sflag:s19] =	ssyncset.done $0x0  }
.LBB2_1:
0x33: {  	p0 =	sne.s32 s21, $0x1;
	s21 =	sadd.s32 $0xFFFFFFFF, s21;
	[sflag:s19] =	ssyncadd.s32 $0xFFFFC000  }
0x34: {  	[tilespmem:s4], [sflag:$0x3] =	stream.linear.gather [hbm4b:s5+s4], $0x100, $0x38;
	[tilespmem:$0x10200] =	vst v63  }
0x35: {  	_ =	swait.ge [sflag:s6], $0x100  }
0x36: {  	[sflag:s6] =	ssyncset.done $0x0  }
0x37: {  	[sflag:s6] =	ssyncadd.s32 $0xFFFFFF00  }
0x38: {  	[tilespmem:s8], [sflag:$0x3] =	stream.linear.gather [hbm4b:s7+s4], $0x100, $0x38;
	[tilespmem:$0x10200] =	vst v63  }
0x39: {  	_ =	swait.ge [sflag:s6], $0x100  }
0x3a: {  	[sflag:s6] =	ssyncset.done $0x0  }
0x3b: {  	[sflag:s6] =	ssyncadd.s32 $0xFFFFFF00  }
0x3c: {  	[tilespmem:s10], [sflag:$0x1] =	stream.indirect.gather [hbm4b:s1+s9], $0x80, s4, s9, $0xb8;
	[tilespmem:$0x10200] =	vst v63  }
0x3d: {  	_ = 	snop  }
0x3e: {  	[tilespmem:s11], [sflag:$0x1] =	stream.indirect.gather [hbm4b:s1+s9], $0x80, s9, s9, $0xb8;
	[tilespmem:$0x10200] =	vst v63  }
0x3f: {  	_ = 	snop  }
0x40: {  	[tilespmem:s12], [sflag:$0x1] =	stream.indirect.gather [hbm4b:s3+s9], $0x80, s8, s9, $0xb8;
	[tilespmem:$0x10200] =	vst v63  }
0x41: {  	_ = 	snop  }
0x42: {  	[tilespmem:s14], [sflag:$0x1] =	stream.indirect.gather [hbm4b:s3+s9], $0x80, s13, s9, $0xb8;
	[tilespmem:$0x10200] =	vst v63  }
0x43: {  	_ =	swait.ge [sflag:s15], $0x4000  }
0x44: {  	[sflag:s15] =	ssyncset.done $0x0  }
0x45: {  	[sflag:s15] =	ssyncadd.s32 $0xFFFFC000  }
0x46: {  	[hbm4b:s16+s4] =	stream.linear.scatter [tilespmem:s10], [sflag:$0x2], $0x4000, $0x38;
	[tilespmem:$0x10200] =	vst v63  }
0x47: {  	_ =	swait.ge [sflag:s15], $0x4000  }
0x48: {  	[sflag:s15] =	ssyncset.done $0x0  }
0x49: {  	[sflag:s15] =	ssyncadd.s32 $0xFFFFC000  }
0x4a: {  	[hbm4b:s17+s4] =	stream.linear.scatter [tilespmem:s11], [sflag:$0x2], $0x4000, $0x38;
	[tilespmem:$0x10200] =	vst v63  }
0x4b: {  	_ =	swait.ge [sflag:s15], $0x4000  }
0x4c: {  	[sflag:s15] =	ssyncset.done $0x0  }
0x4d: {  	[sflag:s15] =	ssyncadd.s32 $0xFFFFC000  }
0x4e: {  	[hbm4b:s18+s4] =	stream.linear.scatter [tilespmem:s12], [sflag:$0x2], $0x4000, $0x38;
	[tilespmem:$0x10200] =	vst v63  }
0x4f: {  	_ =	swait.ge [sflag:s15], $0x4000  }
0x50: {  	[sflag:s15] =	ssyncset.done $0x0  }
0x51: {  	[sflag:s15] =	ssyncadd.s32 $0xFFFFC000  }
0x52: {  	[hbm4b:s20+s4] =	stream.linear.scatter [tilespmem:s14], [sflag:$0x2], $0x4000, $0x38;
	[tilespmem:$0x10200] =	vst v63  }
0x53: {  	_ =	swait.ge [sflag:s19], $0x4000  }
0x54: {  	[sflag:s19] =	ssyncset.done $0x0  }
0x55: {  	[sflag:s19] =	ssyncadd.s32 $0xFFFFC000  }
0x56: {  	_ =	swait.ge [sflag:s19], $0x4000  }
0x57: {  	[sflag:s19] =	ssyncset.done $0x0  }
0x58: {  	[sflag:s19] =	ssyncadd.s32 $0xFFFFC000  }
.Ltmp1:
0x59: {  	_ =	swait.ge [sflag:s19], $0x4000;
	(pc) =	sbr.rel @p0 .LBB2_1-.Ltmp1, $4  }
0x5a: {  	[sflag:s19] =	ssyncset.done $0x0  }
0x5b: {  	[sflag:s19] =	ssyncadd.s32 $0xFFFFC000  }
0x5c: {  	_ =	swait.ge [sflag:s19], $0x4000  }
0x5d: {  	[sflag:s19] =	ssyncset.done $0x0  }
.LBB2_2:
0x5e: {  	[sflag:s19] =	ssyncadd.s32 $0xFFFFC000  }
0x5f: {  	_ =	sfence.sel $0x180000  }
0x60: {  	[bflag:$0x0] =	sbarrier.arrive $0xFFFF  }
0x61: {  	p0 =	sne.s32 s0, $0x0;
	_ =	strace $0x9000004A  }
0x62: {  	s0 =	sadd.s32 @!p0 $0x100000, s2;
	[bflag:$0x2] =	sbarrier.arrive $0xFFFF  }
0x63: {  	[sflag:s0] =	ssyncadd.tile.s32 @!p0 $0x1;
	_ =	shalt  }
.Lfunc_end2:
_tile_overlayer_lowered:
.L_overlay_start_2:
0x64: {  	(tag) =	ssettag $0x2  }
0x65: {  	s0 =	rddreg [dreg:$0x0];
	s2 =	stileid.u32  }
0x66: {  	s1 =	rddreg [dreg:$0x1];
	p0 =	sne.s32 s2, $0x0  }
0x67: {  	s3 =	rddreg [dreg:$0x2];
	[bflag:$0x3] =	sbarrier.arrive $0xFFFF;
	s2 =	simm.s32 @!p0 $0x1C03  }
0x68: {  	[timem:s3], [sflag:s2] =	dma.local @!p0 [hbm:s0], s1  }
0x69: {  	s0 =	simm.s32 @!p0 $0x3  }
0x6a: {  	_ =	swait.ge @!p0 [sflag:s0], s1  }
0x6b: {  	s1 =	ssub.s32 @!p0 $0x0, s1;
	[sflag:s0] =	ssyncset.done @!p0 $0x0  }
0x6c: {  	[sflag:s0] =	ssyncadd.s32 @!p0 s1  }
0x6d: {  	[bflag:$0x3] =	sbarrier.arrive $0xFFFF  }
0x6e: {  	_ =	shalt  }

</sc_bundles>
